<compile_context>
chip_gen: v7x
topology: tpu7x:2x2x1
jax: 0.10.2.dev20260603
libtpu: 0.0.44.dev20260713+nightly
codegen_flags: <defaults>
</compile_context>

<pallas_src>
import dataclasses
import functools

import jax
import jax.numpy as jnp
from jax import lax
from jax.experimental import pallas as pl
from jax.experimental.pallas import tpu as pltpu
from jax.experimental.pallas import tpu_sc as plsc

N = 10000
E = 160000
D = 256

NC = 2
NS = 16
HALF = N // NC

DEG_ROWS = 80
DEG_COLS = 64

NW = NC * NS
TROWS = 320
DUMMY_ROW = TROWS
ECHUNK = 4000
N_ECHUNKS = E // ECHUNK
GBLK = 64
STAGE = ECHUNK + 16 + GBLK

_mesh = plsc.VectorSubcoreMesh(core_axis_name="core", subcore_axis_name="subcore")

_sc_params = pltpu.CompilerParams()
if "needs_layout_passes" in pltpu.CompilerParams.__dataclass_fields__:
    _sc_params = dataclasses.replace(_sc_params, needs_layout_passes=False)


@functools.partial(
    pl.kernel,
    mesh=_mesh,
    compiler_params=_sc_params,
    out_type=jax.ShapeDtypeStruct((NC, NS, DEG_ROWS, DEG_COLS), jnp.float32),
    scratch_types=[
        pltpu.VMEM((E // NS,), jnp.int32),
        pltpu.VMEM((DEG_ROWS, DEG_COLS), jnp.float32),
        pltpu.SemaphoreType.DMA,
    ],
)
def _deg_kernel(col_hbm, out_hbm, col_v, hist_v, sem):
    c = lax.axis_index("core")
    s = lax.axis_index("subcore")
    per_tile = E // NS

    @pl.loop(0, DEG_ROWS)
    def _(r):
        @pl.loop(0, DEG_COLS // 16)
        def _(k):
            hist_v[r, pl.ds(k * 16, 16)] = jnp.zeros((16,), jnp.float32)

    pltpu.sync_copy(col_hbm.at[pl.ds(s * per_tile, per_tile)], col_v)
    base = c * HALF
    ones = jnp.ones((16,), jnp.float32)

    @pl.loop(0, per_tile // 16)
    def _(g):
        idx = col_v[pl.ds(g * 16, 16)]
        loc = idx - base
        ok = (loc >= 0) & (loc < HALF)
        loc0 = jnp.where(ok, loc, 0)
        ri = jnp.right_shift(loc0, 6)
        ci = jnp.bitwise_and(loc0, 63)
        plsc.addupdate_scatter(hist_v, [ri, ci], ones, mask=ok)

    pltpu.sync_copy(hist_v, out_hbm.at[c].at[s])


_RB = 400


def _dense_body(x_ref, wfc_ref, bfc_ref, wcv_ref, bcv_ref, degt_ref,
                x0b_ref, hp_ref, dinv_ref):
    xb = x_ref[...]
    fc = jnp.dot(xb, wfc_ref[...], preferred_element_type=jnp.float32)
    x0b_ref[...] = jnp.maximum(fc + bfc_ref[...], 0.0) + bcv_ref[...]
    hv = jnp.dot(xb, wcv_ref[...], preferred_element_type=jnp.float32)
    deg = jnp.sum(degt_ref[...], axis=1, keepdims=True)
    dinv = jnp.where(deg > 0, lax.rsqrt(deg), 0.0)
    dinv_ref[...] = dinv
    hp_ref[...] = hv * dinv


def _dense_kernel(x, W_fc, b_fc, W_conv, b_conv, degT):
    grid = (N // _RB,)
    return pl.pallas_call(
        _dense_body,
        grid=grid,
        in_specs=[
            pl.BlockSpec((_RB, D), lambda i: (i, 0)),
            pl.BlockSpec((D, D), lambda i: (0, 0)),
            pl.BlockSpec((1, D), lambda i: (0, 0)),
            pl.BlockSpec((D, D), lambda i: (0, 0)),
            pl.BlockSpec((1, D), lambda i: (0, 0)),
            pl.BlockSpec((_RB, NS), lambda i: (i, 0)),
        ],
        out_specs=[
            pl.BlockSpec((_RB, D), lambda i: (i, 0)),
            pl.BlockSpec((_RB, D), lambda i: (i, 0)),
            pl.BlockSpec((_RB, 1), lambda i: (i, 0)),
        ],
        out_shape=[
            jax.ShapeDtypeStruct((N, D), jnp.float32),
            jax.ShapeDtypeStruct((N, D), jnp.float32),
            jax.ShapeDtypeStruct((N, 1), jnp.float32),
        ],
    )(x, W_fc, b_fc.reshape(1, D), W_conv, b_conv.reshape(1, D), degT)


@functools.partial(
    pl.kernel,
    mesh=_mesh,
    compiler_params=_sc_params,
    out_type=jax.ShapeDtypeStruct((NW, TROWS, D), jnp.float32),
    scratch_types=[
        pltpu.VMEM((ECHUNK,), jnp.int32),
        pltpu.VMEM((ECHUNK,), jnp.int32),
        pltpu.VMEM((STAGE,), jnp.int32),
        pltpu.VMEM((STAGE,), jnp.int32),
        pltpu.VMEM((GBLK, D), jnp.float32),
        pltpu.VMEM((TROWS + 8, D), jnp.float32),
        pltpu.SemaphoreType.DMA,
    ],
)
def _scatter_kernel(hp_hbm, row_hbm, col_hbm, out_hbm, row_v, col_v,
                    csrc_v, cdst_v, rows_v, acc_v, sem):
    c = lax.axis_index("core")
    s = lax.axis_index("subcore")
    w = c * NS + s
    lo = w * TROWS
    lanes = lax.iota(jnp.int32, 16)
    zeros16 = jnp.zeros((16,), jnp.float32)

    @pl.loop(0, TROWS + 8)
    def _(r):
        @pl.loop(0, D // 16)
        def _(k):
            acc_v[r, pl.ds(k * 16, 16)] = zeros16

    @pl.loop(0, N_ECHUNKS)
    def _(g):
        e0 = g * ECHUNK
        pltpu.sync_copy(row_hbm.at[pl.ds(e0, ECHUNK)], row_v)
        pltpu.sync_copy(col_hbm.at[pl.ds(e0, ECHUNK)], col_v)

        def scan_body(v, fill):
            dst = col_v[pl.ds(v * 16, 16)]
            src = row_v[pl.ds(v * 16, 16)]
            loc = dst - lo
            own = (loc >= 0) & (loc < TROWS)
            plsc.store_compressed(csrc_v.at[pl.ds(fill, 16)], src, mask=own)
            plsc.store_compressed(cdst_v.at[pl.ds(fill, 16)], loc, mask=own)
            cnt = plsc.all_reduce_population_count(own)
            return fill + cnt[0]

        fill = lax.fori_loop(0, ECHUNK // 16, scan_body, jnp.int32(0))

        @pl.loop(0, GBLK // 16)
        def _(p):
            csrc_v[pl.ds(fill + p * 16, 16)] = jnp.bitwise_and(
                lanes + p * 16 + g, 8191)
            cdst_v[pl.ds(fill + p * 16, 16)] = DUMMY_ROW + jnp.bitwise_and(
                lanes, 7)

        nblocks = (fill + (GBLK - 1)) // GBLK

        @pl.loop(0, nblocks)
        def _(b):
            pltpu.async_copy(hp_hbm.at[csrc_v.at[pl.ds(b * GBLK, GBLK)]],
                             rows_v, sem).wait()
            rmax = jnp.minimum(GBLK, fill - b * GBLK)

            @pl.loop(0, rmax)
            def _(r):
                dst = cdst_v[pl.ds(b * GBLK + r, 16)][0]
                dvec = dst + 0 * lanes

                @pl.loop(0, D // 16)
                def _(k):
                    v = rows_v[r, pl.ds(k * 16, 16)]
                    plsc.addupdate_scatter(acc_v, [dvec, k * 16 + lanes], v)

    pltpu.sync_copy(acc_v.at[pl.ds(0, TROWS)], out_hbm.at[c * NS + s])


def _combine_body(x0b_ref, dinv_ref, acc_ref, out_ref):
    out_ref[...] = x0b_ref[...] + dinv_ref[...] * acc_ref[...]


def _combine_kernel(x0b, dinv2d, acc):
    grid = (N // _RB,)
    return pl.pallas_call(
        _combine_body,
        grid=grid,
        in_specs=[
            pl.BlockSpec((_RB, D), lambda i: (i, 0)),
            pl.BlockSpec((_RB, 1), lambda i: (i, 0)),
            pl.BlockSpec((_RB, D), lambda i: (i, 0)),
        ],
        out_specs=pl.BlockSpec((_RB, D), lambda i: (i, 0)),
        out_shape=jax.ShapeDtypeStruct((N, D), jnp.float32),
    )(x0b, dinv2d, acc)


def kernel(x, edge_index, W_fc, b_fc, W_conv, b_conv):
    row = edge_index[0]
    col = edge_index[1]

    hist = _deg_kernel(col)
    hf = hist.reshape(NC, NS, DEG_ROWS * DEG_COLS)
    degT = jnp.concatenate(
        [hf[0, :, :HALF].T, hf[1, :, :HALF].T], axis=0
    )

    x0b, hp, dinv2d = _dense_kernel(x, W_fc, b_fc, W_conv, b_conv, degT)

    acc_parts = _scatter_kernel(hp, row, col)
    acc = acc_parts.reshape(NW * TROWS, D)[:N]

    return _combine_kernel(x0b, dinv2d, acc)

# --- scband reference (transcript-rebuilt; emitter-appended) ---
"""Pipeline reference for scband-encoder-8366596293166 (READ-ONLY COPY).

The authoritative reference and input builder live on the scoring server;
editing this copy changes nothing except your own understanding.
"""

import jax, jax.numpy as jnp
import numpy as np

N, E, DIN, DOUT = 10000, 160000, 256, 256

def _glorot(key, shape):
    lim = np.sqrt(6.0 / (shape[0] + shape[1]))
    return jax.random.uniform(key, shape, dtype=jnp.float32, minval=-lim, maxval=lim)

def setup_inputs(seed: int = 0) -> dict:
    key = jax.random.key(seed)
    k1, k2, k3, k4 = jax.random.split(key, 4)
    x = jax.random.normal(k1, (N, DIN), dtype=jnp.float32)
    edge_index = jax.random.randint(k2, (2, E), 0, N, dtype=jnp.int32)
    W_fc = _glorot(k3, (DIN, DOUT))
    b_fc = jnp.zeros((DOUT,), dtype=jnp.float32)
    W_conv = _glorot(k4, (DIN, DOUT))
    b_conv = jnp.zeros((DOUT,), dtype=jnp.float32)
    return {"x": x, "edge_index": edge_index, "W_fc": W_fc, "b_fc": b_fc, "W_conv": W_conv, "b_conv": b_conv}

def reference(x, edge_index, W_fc, b_fc, W_conv, b_conv):
    # skip branch: x0 = act(fc(x))
    x0 = jax.nn.relu(x @ W_fc + b_fc)
    # GCNConv (add_self_loops=False, symmetric normalization)
    h = x @ W_conv
    row = edge_index[0]  # source nodes
    col = edge_index[1]  # target nodes
    n = x.shape[0]
    ones = jnp.ones((edge_index.shape[1],), dtype=jnp.float32)
    deg = jnp.zeros((n,), dtype=jnp.float32).at[col].add(ones)
    deg_inv_sqrt = jnp.where(deg > 0, deg ** -0.5, 0.0)
    norm = deg_inv_sqrt[row] * deg_inv_sqrt[col]
    msg = h[row] * norm[:, None]
    out = jnp.zeros_like(h).at[col].add(msg)
    out = out + b_conv
    return x0 + out

if __name__ == "__main__":
    import jax
    _d = setup_inputs()
    print(jax.jit(kernel)(*tuple(_d.values())))

</pallas_src>

<mosaic_0001>
#map = affine_map<(d0, d1) -> (0, 0)>
#map1 = affine_map<(d0, d1) -> (0)>
#map2 = affine_map<(d0, d1) -> (0, 0, 0)>
module attributes {stable_mosaic.version = 14 : i64} {
  func.func @_scatter_kernel(%arg0: i32, %arg1: i32, %arg2: memref<10000x256xf32, #tpu.memory_space<hbm>>, %arg3: memref<160000xi32, #tpu.memory_space<hbm>>, %arg4: memref<160000xi32, #tpu.memory_space<hbm>>, %arg5: memref<32x320x256xf32, #tpu.memory_space<hbm>>, %arg6: memref<4000xi32, #tpu.memory_space<vmem>>, %arg7: memref<4000xi32, #tpu.memory_space<vmem>>, %arg8: memref<4080xi32, #tpu.memory_space<vmem>>, %arg9: memref<4080xi32, #tpu.memory_space<vmem>>, %arg10: memref<64x256xf32, #tpu.memory_space<vmem>>, %arg11: memref<328x256xf32, #tpu.memory_space<vmem>>, %arg12: memref<!tpu.dma_semaphore, #tpu.memory_space<semaphore_mem>>) attributes {dimension_semantics = [#tpu.dimension_semantics<core_parallel>, #tpu.dimension_semantics<subcore_parallel>], iteration_bounds = array<i64: 2, 16>, scalar_prefetch = 0 : i64, scratch_operands = 7 : i64, tpu.core_type = #tpu.core_type<sc_vector_subcore>, window_params = [{transform_indices = #map}, {transform_indices = #map1}, {transform_indices = #map1}, {transform_indices = #map2}]} {
    %mul3A = arith.constant 16 : i32
    %mul3A_0 = arith.muli %arg0, %mul3A : i32
    %add3A = arith.addi %mul3A_0, %arg1 : i32
    %mul3A_1 = arith.constant 320 : i32
    %mul3A_2 = arith.muli %add3A, %mul3A_1 : i32
    %iota3A = tpu.iota {dimensions = array<i32: 0>} : vector<16xi32>
    %broadcast_in_dim3A = arith.constant 0.000000e+00 : f32
    %broadcast_in_dim3A_3 = vector.broadcast %broadcast_in_dim3A : f32 to vector<16xf32>
    %scan3A = arith.constant 0 : i32
    %scan3A_4 = arith.constant 328 : i32
    %scan3A_5 = arith.addi %scan3A, %scan3A_4 : i32
    %scan3A_6 = arith.constant 1 : i32
    scf.for %scan3A_16 = %scan3A to %scan3A_5 step %scan3A_6  : i32 {
      %mul3A_17 = arith.constant 1 : i32
      %mul3A_18 = arith.muli %scan3A_16, %mul3A_17 : i32
      %add3A_19 = arith.constant 0 : i32
      %add3A_20 = arith.addi %add3A_19, %mul3A_18 : i32
      %scan3A_21 = arith.constant 0 : i32
      %scan3A_22 = arith.constant 16 : i32
      %scan3A_23 = arith.addi %scan3A_21, %scan3A_22 : i32
      %scan3A_24 = arith.constant 1 : i32
      scf.for %scan3A_26 = %scan3A_21 to %scan3A_23 step %scan3A_24  : i32 {
        %mul3A_27 = arith.constant 1 : i32
        %mul3A_28 = arith.muli %scan3A_26, %mul3A_27 : i32
        %add3A_29 = arith.constant 0 : i32
        %add3A_30 = arith.addi %add3A_29, %mul3A_28 : i32
        %mul3A_31 = arith.constant 16 : i32
        %mul3A_32 = arith.muli %add3A_30, %mul3A_31 : i32
        %swap3A = arith.index_cast %add3A_20 : i32 to index
        %swap3A_33 = arith.index_cast %mul3A_32 : i32 to index
        %swap3A_34 = tpu.vector_load %arg11[%swap3A, %swap3A_33] {strides = array<i32>} : memref<328x256xf32, #tpu.memory_space<vmem>>, vector<16xf32>,
        tpu.vector_store %arg11[%swap3A, %swap3A_33], %broadcast_in_dim3A_3 {strides = array<i32>} : memref<328x256xf32, #tpu.memory_space<vmem>>, vector<16xf32>,
      }
      %scan3A_25 = arith.constant 16 : i32
    }
    %scan3A_7 = arith.constant 328 : i32
    %scan3A_8 = arith.constant 0 : i32
    %scan3A_9 = arith.constant 40 : i32
    %scan3A_10 = arith.addi %scan3A_8, %scan3A_9 : i32
    %scan3A_11 = arith.constant 1 : i32
    scf.for %scan3A_16 = %scan3A_8 to %scan3A_10 step %scan3A_11  : i32 {
      %mul3A_17 = arith.constant 1 : i32
      %mul3A_18 = arith.muli %scan3A_16, %mul3A_17 : i32
      %add3A_19 = arith.constant 0 : i32
      %add3A_20 = arith.addi %add3A_19, %mul3A_18 : i32
      %mul3A_21 = arith.constant 4000 : i32
      %mul3A_22 = arith.muli %add3A_20, %mul3A_21 : i32
      "tpu.region"() ({
        %run_scoped3A = tpu.sem_alloc : memref<!tpu.dma_semaphore, #tpu.memory_space<semaphore_mem>>
        %dma_start3A = tpu.memref_slice %arg3[%mul3A_22] : memref<160000xi32, #tpu.memory_space<hbm>> -> memref<4000xi32, #tpu.memory_space<hbm>>
        %dma_start3A_71 = tpu.memref_slice %arg3[%mul3A_22] : memref<160000xi32, #tpu.memory_space<hbm>> -> memref<4000xi32, #tpu.memory_space<hbm>>
        tpu.enqueue_dma source(%dma_start3A_71 : memref<4000xi32, #tpu.memory_space<hbm>>) target(%arg6 : memref<4000xi32, #tpu.memory_space<vmem>>) target_semaphore(%run_scoped3A : memref<!tpu.dma_semaphore, #tpu.memory_space<semaphore_mem>>)
        %dma_wait3A = tpu.memref_slice %arg3[%mul3A_22] : memref<160000xi32, #tpu.memory_space<hbm>> -> memref<4000xi32, #tpu.memory_space<hbm>>
        %dma_wait3A_72 = tpu.memref_slice %arg3[%mul3A_22] : memref<160000xi32, #tpu.memory_space<hbm>> -> memref<4000xi32, #tpu.memory_space<hbm>>
        tpu.wait_dma2 semaphore(%run_scoped3A : memref<!tpu.dma_semaphore, #tpu.memory_space<semaphore_mem>>) src(%dma_wait3A_72 : memref<4000xi32, #tpu.memory_space<hbm>>) dst(%arg6 : memref<4000xi32, #tpu.memory_space<vmem>>)
        tpu.yield
      }) : () -> ()
      "tpu.region"() ({
        %run_scoped3A = tpu.sem_alloc : memref<!tpu.dma_semaphore, #tpu.memory_space<semaphore_mem>>
        %dma_start3A = tpu.memref_slice %arg4[%mul3A_22] : memref<160000xi32, #tpu.memory_space<hbm>> -> memref<4000xi32, #tpu.memory_space<hbm>>
        %dma_start3A_71 = tpu.memref_slice %arg4[%mul3A_22] : memref<160000xi32, #tpu.memory_space<hbm>> -> memref<4000xi32, #tpu.memory_space<hbm>>
        tpu.enqueue_dma source(%dma_start3A_71 : memref<4000xi32, #tpu.memory_space<hbm>>) target(%arg7 : memref<4000xi32, #tpu.memory_space<vmem>>) target_semaphore(%run_scoped3A : memref<!tpu.dma_semaphore, #tpu.memory_space<semaphore_mem>>)
        %dma_wait3A = tpu.memref_slice %arg4[%mul3A_22] : memref<160000xi32, #tpu.memory_space<hbm>> -> memref<4000xi32, #tpu.memory_space<hbm>>
        %dma_wait3A_72 = tpu.memref_slice %arg4[%mul3A_22] : memref<160000xi32, #tpu.memory_space<hbm>> -> memref<4000xi32, #tpu.memory_space<hbm>>
        tpu.wait_dma2 semaphore(%run_scoped3A : memref<!tpu.dma_semaphore, #tpu.memory_space<semaphore_mem>>) src(%dma_wait3A_72 : memref<4000xi32, #tpu.memory_space<hbm>>) dst(%arg7 : memref<4000xi32, #tpu.memory_space<vmem>>)
        tpu.yield
      }) : () -> ()
      %scan3A_23 = arith.constant 0 : i32
      %scan3A_24 = arith.constant 0 : i32
      %scan3A_25 = arith.constant 250 : i32
      %scan3A_26 = arith.addi %scan3A_24, %scan3A_25 : i32
      %scan3A_27 = arith.constant 1 : i32
      %scan3A_28 = scf.for %scan3A_71 = %scan3A_24 to %scan3A_26 step %scan3A_27 iter_args(%scan3A_72 = %scan3A_23) -> (i32)  : i32 {
        %mul3A_73 = arith.constant 16 : i32
        %mul3A_74 = arith.muli %scan3A_71, %mul3A_73 : i32
        %get3A = arith.index_cast %mul3A_74 : i32 to index
        %get3A_75 = tpu.vector_load %arg7[%get3A] {strides = array<i32>} : memref<4000xi32, #tpu.memory_space<vmem>>, vector<16xi32>,
        %mul3A_76 = arith.constant 16 : i32
        %mul3A_77 = arith.muli %scan3A_71, %mul3A_76 : i32
        %get3A_78 = arith.index_cast %mul3A_77 : i32 to index
        %get3A_79 = tpu.vector_load %arg6[%get3A_78] {strides = array<i32>} : memref<4000xi32, #tpu.memory_space<vmem>>, vector<16xi32>,
        %sub3A_80 = vector.broadcast %mul3A_2 : i32 to vector<16xi32>
        %sub3A_81 = arith.subi %get3A_75, %sub3A_80 : vector<16xi32>
        %ge3A = arith.constant 0 : i32
        %ge3A_82 = vector.broadcast %ge3A : i32 to vector<16xi32>
        %ge3A_83 = arith.cmpi sge, %sub3A_81, %ge3A_82 : vector<16xi32>
        %lt3A = arith.constant 320 : i32
        %lt3A_84 = vector.broadcast %lt3A : i32 to vector<16xi32>
        %lt3A_85 = arith.cmpi slt, %sub3A_81, %lt3A_84 : vector<16xi32>
        %and3A_86 = arith.andi %ge3A_83, %lt3A_85 : vector<16xi1>
        %swap3A = arith.index_cast %scan3A_72 : i32 to index
        %swap3A_87 = tpu.vector_load %arg8[%swap3A] masked %and3A_86 {strides = array<i32>} : memref<4080xi32, #tpu.memory_space<vmem>>, vector<16xi32>, vector<16xi1>
        tpu.vector_store %arg8[%swap3A], %get3A_79 masked %and3A_86 {strides = array<i32>} : memref<4080xi32, #tpu.memory_space<vmem>>, vector<16xi32>, vector<16xi1>
        %swap3A_88 = arith.index_cast %scan3A_72 : i32 to index
        %swap3A_89 = tpu.vector_load %arg9[%swap3A_88] masked %and3A_86 {strides = array<i32>} : memref<4080xi32, #tpu.memory_space<vmem>>, vector<16xi32>, vector<16xi1>
        tpu.vector_store %arg9[%swap3A_88], %sub3A_81 masked %and3A_86 {strides = array<i32>} : memref<4080xi32, #tpu.memory_space<vmem>>, vector<16xi32>, vector<16xi1>
        %all_reduce_population_count3A = tpu.all_reduce %and3A_86 {dim = 0 : i64, kind = #tpu.reduction_kind<sum>} : vector<16xi1> -> vector<16xi32>
        %slice3A = vector.extract_strided_slice %all_reduce_population_count3A {offsets = [0], sizes = [1], strides = [1]} : vector<16xi32> to vector<1xi32>
        %squeeze3A = vector.extract %slice3A[0] : i32 from vector<1xi32>
        %add3A_90 = arith.addi %scan3A_72, %squeeze3A : i32
        scf.yield %add3A_90 : i32
      }
      %scan3A_29 = arith.constant 250 : i32
      %scan3A_30 = arith.constant 0 : i32
      %scan3A_31 = arith.constant 4 : i32
      %scan3A_32 = arith.addi %scan3A_30, %scan3A_31 : i32
      %scan3A_33 = arith.constant 1 : i32
      scf.for %scan3A_71 = %scan3A_30 to %scan3A_32 step %scan3A_33  : i32 {
        %mul3A_72 = arith.constant 1 : i32
        %mul3A_73 = arith.muli %scan3A_71, %mul3A_72 : i32
        %add3A_74 = arith.constant 0 : i32
        %add3A_75 = arith.addi %add3A_74, %mul3A_73 : i32
        %mul3A_76 = arith.constant 16 : i32
        %mul3A_77 = arith.muli %add3A_75, %mul3A_76 : i32
        %add3A_78 = vector.broadcast %mul3A_77 : i32 to vector<16xi32>
        %add3A_79 = arith.addi %iota3A, %add3A_78 : vector<16xi32>
        %add3A_80 = vector.broadcast %add3A_20 : i32 to vector<16xi32>
        %add3A_81 = arith.addi %add3A_79, %add3A_80 : vector<16xi32>
        %and3A_82 = arith.constant 8191 : i32
        %and3A_83 = vector.broadcast %and3A_82 : i32 to vector<16xi32>
        %and3A_84 = arith.andi %add3A_81, %and3A_83 : vector<16xi32>
        %mul3A_85 = arith.constant 16 : i32
        %mul3A_86 = arith.muli %add3A_75, %mul3A_85 : i32
        %add3A_87 = arith.addi %scan3A_28, %mul3A_86 : i32
        %swap3A = arith.index_cast %add3A_87 : i32 to index
        %swap3A_88 = tpu.vector_load %arg8[%swap3A] {strides = array<i32>} : memref<4080xi32, #tpu.memory_space<vmem>>, vector<16xi32>,
        tpu.vector_store %arg8[%swap3A], %and3A_84 {strides = array<i32>} : memref<4080xi32, #tpu.memory_space<vmem>>, vector<16xi32>,
        %and3A_89 = arith.constant 7 : i32
        %and3A_90 = vector.broadcast %and3A_89 : i32 to vector<16xi32>
        %and3A_91 = arith.andi %iota3A, %and3A_90 : vector<16xi32>
        %add3A_92 = arith.constant 320 : i32
        %add3A_93 = vector.broadcast %add3A_92 : i32 to vector<16xi32>
        %add3A_94 = arith.addi %add3A_93, %and3A_91 : vector<16xi32>
        %mul3A_95 = arith.constant 16 : i32
        %mul3A_96 = arith.muli %add3A_75, %mul3A_95 : i32
        %add3A_97 = arith.addi %scan3A_28, %mul3A_96 : i32
        %swap3A_98 = arith.index_cast %add3A_97 : i32 to index
        %swap3A_99 = tpu.vector_load %arg9[%swap3A_98] {strides = array<i32>} : memref<4080xi32, #tpu.memory_space<vmem>>, vector<16xi32>,
        tpu.vector_store %arg9[%swap3A_98], %add3A_94 {strides = array<i32>} : memref<4080xi32, #tpu.memory_space<vmem>>, vector<16xi32>,
      }
      %scan3A_34 = arith.constant 4 : i32
      %add3A_35 = arith.constant 63 : i32
      %add3A_36 = arith.addi %scan3A_28, %add3A_35 : i32
      %jit3A = arith.constant 64 : i32
      %div3A = arith.divsi %add3A_36, %jit3A : i32
      %sign3A = arith.constant 0 : i32
      %sign3A_37 = arith.cmpi sgt, %add3A_36, %sign3A : i32
      %sign3A_38 = arith.extui %sign3A_37 : i1 to i32
      %sign3A_39 = arith.constant 0 : i32
      %sign3A_40 = arith.cmpi slt, %add3A_36, %sign3A_39 : i32
      %sign3A_41 = arith.extui %sign3A_40 : i1 to i32
      %sign3A_42 = arith.subi %sign3A_38, %sign3A_41 : i32
      %sign3A_43 = arith.constant 0 : i32
      %sign3A_44 = arith.cmpi sgt, %jit3A, %sign3A_43 : i32
      %sign3A_45 = arith.extui %sign3A_44 : i1 to i32
      %sign3A_46 = arith.constant 0 : i32
      %sign3A_47 = arith.cmpi slt, %jit3A, %sign3A_46 : i32
      %sign3A_48 = arith.extui %sign3A_47 : i1 to i32
      %sign3A_49 = arith.subi %sign3A_45, %sign3A_48 : i32
      %ne3A = arith.cmpi ne, %sign3A_42, %sign3A_49 : i32
      %rem3A = arith.remsi %add3A_36, %jit3A : i32
      %ne3A_50 = arith.constant 0 : i32
      %ne3A_51 = arith.cmpi ne, %rem3A, %ne3A_50 : i32
      %and3A = arith.andi %ne3A, %ne3A_51 : i1
      %sub3A = arith.constant 1 : i32
      %sub3A_52 = arith.subi %div3A, %sub3A : i32
      %select_n3A = arith.select %and3A, %sub3A_52, %div3A : i32
      %sub3A_53 = arith.constant 0 : i32
      %sub3A_54 = arith.subi %select_n3A, %sub3A_53 : i32
      %sub3A_55 = arith.constant 1 : i32
      %sub3A_56 = arith.constant 1 : i32
      %sub3A_57 = arith.subi %sub3A_55, %sub3A_56 : i32
      %add3A_58 = arith.addi %sub3A_54, %sub3A_57 : i32
      %div3A_59 = arith.constant 1 : i32
      %div3A_60 = arith.divsi %add3A_58, %div3A_59 : i32
      %while3A = arith.constant 1 : i32
      %while3A_61 = arith.constant 0 : i32
      %while3A_62 = arith.constant 0 : i32
      %while3A_63 = arith.subi %div3A_60, %while3A_62 : i32
      %while3A_64 = arith.addi %while3A_62, %while3A_63 : i32
      %while3A_65 = arith.constant 1 : i32
      %while3A_66 = arith.divsi %while3A_63, %while3A_65 : i32
      %while3A_67 = arith.muli %while3A_66, %while3A_65 : i32
      %while3A_68 = arith.addi %while3A_62, %while3A_67 : i32
      %while3A_69 = arith.constant 1 : i32
      scf.for %while3A_71 = %while3A_62 to %while3A_68 step %while3A_69  : i32 {
        %mul3A_72 = arith.muli %while3A_71, %while3A : i32
        %add3A_73 = arith.addi %while3A_61, %mul3A_72 : i32
        %mul3A_74 = arith.constant 64 : i32
        %mul3A_75 = arith.muli %add3A_73, %mul3A_74 : i32
        %dma_start3A = tpu.memref_slice %arg8[%mul3A_75] : memref<4080xi32, #tpu.memory_space<vmem>> -> memref<64xi32, #tpu.memory_space<vmem>>
        %dma_start3A_76 = arith.constant 0 : i32
        %dma_start3A_77 = arith.constant 0 : i32
        %dma_start3A_78 = tpu.memref_slice %arg2[%dma_start3A_76, %dma_start3A_77] : memref<10000x256xf32, #tpu.memory_space<hbm>> -> memref<10000x256xf32, #tpu.memory_space<hbm>>
        tpu.enqueue_indirect_dma source(%dma_start3A_78 : memref<10000x256xf32, #tpu.memory_space<hbm>>) target(%arg10 : memref<64x256xf32, #tpu.memory_space<vmem>>) offsets(%dma_start3A : memref<64xi32, #tpu.memory_space<vmem>>) semaphore(%arg12 : memref<!tpu.dma_semaphore, #tpu.memory_space<semaphore_mem>>)
        %dma_wait3A = tpu.memref_slice %arg8[%mul3A_75] : memref<4080xi32, #tpu.memory_space<vmem>> -> memref<64xi32, #tpu.memory_space<vmem>>
        %dma_wait3A_79 = arith.constant 0 : i32
        %dma_wait3A_80 = arith.constant 0 : i32
        %dma_wait3A_81 = tpu.memref_slice %arg2[%dma_wait3A_79, %dma_wait3A_80] : memref<10000x256xf32, #tpu.memory_space<hbm>> -> memref<10000x256xf32, #tpu.memory_space<hbm>>
        tpu.wait_indirect_dma semaphore(%arg12 : memref<!tpu.dma_semaphore, #tpu.memory_space<semaphore_mem>>) src(%dma_wait3A_81 : memref<10000x256xf32, #tpu.memory_space<hbm>>) dst(%arg10 : memref<64x256xf32, #tpu.memory_space<vmem>>)
        %mul3A_82 = arith.constant 64 : i32
        %mul3A_83 = arith.muli %add3A_73, %mul3A_82 : i32
        %sub3A_84 = arith.subi %scan3A_28, %mul3A_83 : i32
        %min3A = arith.constant 64 : i32
        %min3A_85 = arith.minsi %min3A, %sub3A_84 : i32
        %sub3A_86 = arith.constant 0 : i32
        %sub3A_87 = arith.subi %min3A_85, %sub3A_86 : i32
        %sub3A_88 = arith.constant 1 : i32
        %sub3A_89 = arith.constant 1 : i32
        %sub3A_90 = arith.subi %sub3A_88, %sub3A_89 : i32
        %add3A_91 = arith.addi %sub3A_87, %sub3A_90 : i32
        %div3A_92 = arith.constant 1 : i32
        %div3A_93 = arith.divsi %add3A_91, %div3A_92 : i32
        %while3A_94 = arith.constant 1 : i32
        %while3A_95 = arith.constant 0 : i32
        %while3A_96 = arith.constant 0 : i32
        %while3A_97 = arith.subi %div3A_93, %while3A_96 : i32
        %while3A_98 = arith.addi %while3A_96, %while3A_97 : i32
        %while3A_99 = arith.constant 1 : i32
        %while3A_100 = arith.divsi %while3A_97, %while3A_99 : i32
        %while3A_101 = arith.muli %while3A_100, %while3A_99 : i32
        %while3A_102 = arith.addi %while3A_96, %while3A_101 : i32
        %while3A_103 = arith.constant 1 : i32
        scf.for %while3A_105 = %while3A_96 to %while3A_102 step %while3A_103  : i32 {
          %mul3A_106 = arith.muli %while3A_105, %while3A_94 : i32
          %add3A_107 = arith.addi %while3A_95, %mul3A_106 : i32
          %mul3A_108 = arith.constant 64 : i32
          %mul3A_109 = arith.muli %add3A_73, %mul3A_108 : i32
          %add3A_110 = arith.addi %mul3A_109, %add3A_107 : i32
          %get3A = arith.index_cast %add3A_110 : i32 to index
          %get3A_111 = tpu.vector_load %arg9[%get3A] {strides = array<i32>} : memref<4080xi32, #tpu.memory_space<vmem>>, vector<16xi32>,
          %slice3A = vector.extract_strided_slice %get3A_111 {offsets = [0], sizes = [1], strides = [1]} : vector<16xi32> to vector<1xi32>
          %squeeze3A = vector.extract %slice3A[0] : i32 from vector<1xi32>
          %mul3A_112 = arith.constant 0 : i32
          %mul3A_113 = vector.broadcast %mul3A_112 : i32 to vector<16xi32>
          %mul3A_114 = arith.muli %mul3A_113, %iota3A : vector<16xi32>
          %add3A_115 = vector.broadcast %squeeze3A : i32 to vector<16xi32>
          %add3A_116 = arith.addi %add3A_115, %mul3A_114 : vector<16xi32>
          %scan3A_117 = arith.constant 0 : i32
          %scan3A_118 = arith.constant 16 : i32
          %scan3A_119 = arith.addi %scan3A_117, %scan3A_118 : i32
          %scan3A_120 = arith.constant 1 : i32
          scf.for %scan3A_122 = %scan3A_117 to %scan3A_119 step %scan3A_120  : i32 {
            %mul3A_123 = arith.constant 1 : i32
            %mul3A_124 = arith.muli %scan3A_122, %mul3A_123 : i32
            %add3A_125 = arith.constant 0 : i32
            %add3A_126 = arith.addi %add3A_125, %mul3A_124 : i32
            %mul3A_127 = arith.constant 16 : i32
            %mul3A_128 = arith.muli %add3A_126, %mul3A_127 : i32
            %get3A_129 = arith.index_cast %add3A_107 : i32 to index
            %get3A_130 = arith.index_cast %mul3A_128 : i32 to index
            %get3A_131 = tpu.vector_load %arg10[%get3A_129, %get3A_130] {strides = array<i32>} : memref<64x256xf32, #tpu.memory_space<vmem>>, vector<16xf32>,
            %mul3A_132 = arith.constant 16 : i32
            %mul3A_133 = arith.muli %add3A_126, %mul3A_132 : i32
            %add3A_134 = vector.broadcast %mul3A_133 : i32 to vector<16xi32>
            %add3A_135 = arith.addi %add3A_134, %iota3A : vector<16xi32>
            tpu.vector_store_idx %arg11[%add3A_116, %add3A_135], %get3A_131 {add = true} : memref<328x256xf32, #tpu.memory_space<vmem>>[vector<16xi32>, vector<16xi32>], vector<16xf32>,
          }
          %scan3A_121 = arith.constant 16 : i32
        }
        %while3A_104 = arith.constant 1 : i32
        scf.for %while3A_105 = %while3A_102 to %while3A_98 step %while3A_104  : i32 {
          %mul3A_106 = arith.muli %while3A_105, %while3A_94 : i32
          %add3A_107 = arith.addi %while3A_95, %mul3A_106 : i32
          %mul3A_108 = arith.constant 64 : i32
          %mul3A_109 = arith.muli %add3A_73, %mul3A_108 : i32
          %add3A_110 = arith.addi %mul3A_109, %add3A_107 : i32
          %get3A = arith.index_cast %add3A_110 : i32 to index
          %get3A_111 = tpu.vector_load %arg9[%get3A] {strides = array<i32>} : memref<4080xi32, #tpu.memory_space<vmem>>, vector<16xi32>,
          %slice3A = vector.extract_strided_slice %get3A_111 {offsets = [0], sizes = [1], strides = [1]} : vector<16xi32> to vector<1xi32>
          %squeeze3A = vector.extract %slice3A[0] : i32 from vector<1xi32>
          %mul3A_112 = arith.constant 0 : i32
          %mul3A_113 = vector.broadcast %mul3A_112 : i32 to vector<16xi32>
          %mul3A_114 = arith.muli %mul3A_113, %iota3A : vector<16xi32>
          %add3A_115 = vector.broadcast %squeeze3A : i32 to vector<16xi32>
          %add3A_116 = arith.addi %add3A_115, %mul3A_114 : vector<16xi32>
          %scan3A_117 = arith.constant 0 : i32
          %scan3A_118 = arith.constant 16 : i32
          %scan3A_119 = arith.addi %scan3A_117, %scan3A_118 : i32
          %scan3A_120 = arith.constant 1 : i32
          scf.for %scan3A_122 = %scan3A_117 to %scan3A_119 step %scan3A_120  : i32 {
            %mul3A_123 = arith.constant 1 : i32
            %mul3A_124 = arith.muli %scan3A_122, %mul3A_123 : i32
            %add3A_125 = arith.constant 0 : i32
            %add3A_126 = arith.addi %add3A_125, %mul3A_124 : i32
            %mul3A_127 = arith.constant 16 : i32
            %mul3A_128 = arith.muli %add3A_126, %mul3A_127 : i32
            %get3A_129 = arith.index_cast %add3A_107 : i32 to index
            %get3A_130 = arith.index_cast %mul3A_128 : i32 to index
            %get3A_131 = tpu.vector_load %arg10[%get3A_129, %get3A_130] {strides = array<i32>} : memref<64x256xf32, #tpu.memory_space<vmem>>, vector<16xf32>,
            %mul3A_132 = arith.constant 16 : i32
            %mul3A_133 = arith.muli %add3A_126, %mul3A_132 : i32
            %add3A_134 = vector.broadcast %mul3A_133 : i32 to vector<16xi32>
            %add3A_135 = arith.addi %add3A_134, %iota3A : vector<16xi32>
            tpu.vector_store_idx %arg11[%add3A_116, %add3A_135], %get3A_131 {add = true} : memref<328x256xf32, #tpu.memory_space<vmem>>[vector<16xi32>, vector<16xi32>], vector<16xf32>,
          }
          %scan3A_121 = arith.constant 16 : i32
        }
      }
      %while3A_70 = arith.constant 1 : i32
      scf.for %while3A_71 = %while3A_68 to %while3A_64 step %while3A_70  : i32 {
        %mul3A_72 = arith.muli %while3A_71, %while3A : i32
        %add3A_73 = arith.addi %while3A_61, %mul3A_72 : i32
        %mul3A_74 = arith.constant 64 : i32
        %mul3A_75 = arith.muli %add3A_73, %mul3A_74 : i32
        %dma_start3A = tpu.memref_slice %arg8[%mul3A_75] : memref<4080xi32, #tpu.memory_space<vmem>> -> memref<64xi32, #tpu.memory_space<vmem>>
        %dma_start3A_76 = arith.constant 0 : i32
        %dma_start3A_77 = arith.constant 0 : i32
        %dma_start3A_78 = tpu.memref_slice %arg2[%dma_start3A_76, %dma_start3A_77] : memref<10000x256xf32, #tpu.memory_space<hbm>> -> memref<10000x256xf32, #tpu.memory_space<hbm>>
        tpu.enqueue_indirect_dma source(%dma_start3A_78 : memref<10000x256xf32, #tpu.memory_space<hbm>>) target(%arg10 : memref<64x256xf32, #tpu.memory_space<vmem>>) offsets(%dma_start3A : memref<64xi32, #tpu.memory_space<vmem>>) semaphore(%arg12 : memref<!tpu.dma_semaphore, #tpu.memory_space<semaphore_mem>>)
        %dma_wait3A = tpu.memref_slice %arg8[%mul3A_75] : memref<4080xi32, #tpu.memory_space<vmem>> -> memref<64xi32, #tpu.memory_space<vmem>>
        %dma_wait3A_79 = arith.constant 0 : i32
        %dma_wait3A_80 = arith.constant 0 : i32
        %dma_wait3A_81 = tpu.memref_slice %arg2[%dma_wait3A_79, %dma_wait3A_80] : memref<10000x256xf32, #tpu.memory_space<hbm>> -> memref<10000x256xf32, #tpu.memory_space<hbm>>
        tpu.wait_indirect_dma semaphore(%arg12 : memref<!tpu.dma_semaphore, #tpu.memory_space<semaphore_mem>>) src(%dma_wait3A_81 : memref<10000x256xf32, #tpu.memory_space<hbm>>) dst(%arg10 : memref<64x256xf32, #tpu.memory_space<vmem>>)
        %mul3A_82 = arith.constant 64 : i32
        %mul3A_83 = arith.muli %add3A_73, %mul3A_82 : i32
        %sub3A_84 = arith.subi %scan3A_28, %mul3A_83 : i32
        %min3A = arith.constant 64 : i32
        %min3A_85 = arith.minsi %min3A, %sub3A_84 : i32
        %sub3A_86 = arith.constant 0 : i32
        %sub3A_87 = arith.subi %min3A_85, %sub3A_86 : i32
        %sub3A_88 = arith.constant 1 : i32
        %sub3A_89 = arith.constant 1 : i32
        %sub3A_90 = arith.subi %sub3A_88, %sub3A_89 : i32
        %add3A_91 = arith.addi %sub3A_87, %sub3A_90 : i32
        %div3A_92 = arith.constant 1 : i32
        %div3A_93 = arith.divsi %add3A_91, %div3A_92 : i32
        %while3A_94 = arith.constant 1 : i32
        %while3A_95 = arith.constant 0 : i32
        %while3A_96 = arith.constant 0 : i32
        %while3A_97 = arith.subi %div3A_93, %while3A_96 : i32
        %while3A_98 = arith.addi %while3A_96, %while3A_97 : i32
        %while3A_99 = arith.constant 1 : i32
        %while3A_100 = arith.divsi %while3A_97, %while3A_99 : i32
        %while3A_101 = arith.muli %while3A_100, %while3A_99 : i32
        %while3A_102 = arith.addi %while3A_96, %while3A_101 : i32
        %while3A_103 = arith.constant 1 : i32
        scf.for %while3A_105 = %while3A_96 to %while3A_102 step %while3A_103  : i32 {
          %mul3A_106 = arith.muli %while3A_105, %while3A_94 : i32
          %add3A_107 = arith.addi %while3A_95, %mul3A_106 : i32
          %mul3A_108 = arith.constant 64 : i32
          %mul3A_109 = arith.muli %add3A_73, %mul3A_108 : i32
          %add3A_110 = arith.addi %mul3A_109, %add3A_107 : i32
          %get3A = arith.index_cast %add3A_110 : i32 to index
          %get3A_111 = tpu.vector_load %arg9[%get3A] {strides = array<i32>} : memref<4080xi32, #tpu.memory_space<vmem>>, vector<16xi32>,
          %slice3A = vector.extract_strided_slice %get3A_111 {offsets = [0], sizes = [1], strides = [1]} : vector<16xi32> to vector<1xi32>
          %squeeze3A = vector.extract %slice3A[0] : i32 from vector<1xi32>
          %mul3A_112 = arith.constant 0 : i32
          %mul3A_113 = vector.broadcast %mul3A_112 : i32 to vector<16xi32>
          %mul3A_114 = arith.muli %mul3A_113, %iota3A : vector<16xi32>
          %add3A_115 = vector.broadcast %squeeze3A : i32 to vector<16xi32>
          %add3A_116 = arith.addi %add3A_115, %mul3A_114 : vector<16xi32>
          %scan3A_117 = arith.constant 0 : i32
          %scan3A_118 = arith.constant 16 : i32
          %scan3A_119 = arith.addi %scan3A_117, %scan3A_118 : i32
          %scan3A_120 = arith.constant 1 : i32
          scf.for %scan3A_122 = %scan3A_117 to %scan3A_119 step %scan3A_120  : i32 {
            %mul3A_123 = arith.constant 1 : i32
            %mul3A_124 = arith.muli %scan3A_122, %mul3A_123 : i32
            %add3A_125 = arith.constant 0 : i32
            %add3A_126 = arith.addi %add3A_125, %mul3A_124 : i32
            %mul3A_127 = arith.constant 16 : i32
            %mul3A_128 = arith.muli %add3A_126, %mul3A_127 : i32
            %get3A_129 = arith.index_cast %add3A_107 : i32 to index
            %get3A_130 = arith.index_cast %mul3A_128 : i32 to index
            %get3A_131 = tpu.vector_load %arg10[%get3A_129, %get3A_130] {strides = array<i32>} : memref<64x256xf32, #tpu.memory_space<vmem>>, vector<16xf32>,
            %mul3A_132 = arith.constant 16 : i32
            %mul3A_133 = arith.muli %add3A_126, %mul3A_132 : i32
            %add3A_134 = vector.broadcast %mul3A_133 : i32 to vector<16xi32>
            %add3A_135 = arith.addi %add3A_134, %iota3A : vector<16xi32>
            tpu.vector_store_idx %arg11[%add3A_116, %add3A_135], %get3A_131 {add = true} : memref<328x256xf32, #tpu.memory_space<vmem>>[vector<16xi32>, vector<16xi32>], vector<16xf32>,
          }
          %scan3A_121 = arith.constant 16 : i32
        }
        %while3A_104 = arith.constant 1 : i32
        scf.for %while3A_105 = %while3A_102 to %while3A_98 step %while3A_104  : i32 {
          %mul3A_106 = arith.muli %while3A_105, %while3A_94 : i32
          %add3A_107 = arith.addi %while3A_95, %mul3A_106 : i32
          %mul3A_108 = arith.constant 64 : i32
          %mul3A_109 = arith.muli %add3A_73, %mul3A_108 : i32
          %add3A_110 = arith.addi %mul3A_109, %add3A_107 : i32
          %get3A = arith.index_cast %add3A_110 : i32 to index
          %get3A_111 = tpu.vector_load %arg9[%get3A] {strides = array<i32>} : memref<4080xi32, #tpu.memory_space<vmem>>, vector<16xi32>,
          %slice3A = vector.extract_strided_slice %get3A_111 {offsets = [0], sizes = [1], strides = [1]} : vector<16xi32> to vector<1xi32>
          %squeeze3A = vector.extract %slice3A[0] : i32 from vector<1xi32>
          %mul3A_112 = arith.constant 0 : i32
          %mul3A_113 = vector.broadcast %mul3A_112 : i32 to vector<16xi32>
          %mul3A_114 = arith.muli %mul3A_113, %iota3A : vector<16xi32>
          %add3A_115 = vector.broadcast %squeeze3A : i32 to vector<16xi32>
          %add3A_116 = arith.addi %add3A_115, %mul3A_114 : vector<16xi32>
          %scan3A_117 = arith.constant 0 : i32
          %scan3A_118 = arith.constant 16 : i32
          %scan3A_119 = arith.addi %scan3A_117, %scan3A_118 : i32
          %scan3A_120 = arith.constant 1 : i32
          scf.for %scan3A_122 = %scan3A_117 to %scan3A_119 step %scan3A_120  : i32 {
            %mul3A_123 = arith.constant 1 : i32
            %mul3A_124 = arith.muli %scan3A_122, %mul3A_123 : i32
            %add3A_125 = arith.constant 0 : i32
            %add3A_126 = arith.addi %add3A_125, %mul3A_124 : i32
            %mul3A_127 = arith.constant 16 : i32
            %mul3A_128 = arith.muli %add3A_126, %mul3A_127 : i32
            %get3A_129 = arith.index_cast %add3A_107 : i32 to index
            %get3A_130 = arith.index_cast %mul3A_128 : i32 to index
            %get3A_131 = tpu.vector_load %arg10[%get3A_129, %get3A_130] {strides = array<i32>} : memref<64x256xf32, #tpu.memory_space<vmem>>, vector<16xf32>,
            %mul3A_132 = arith.constant 16 : i32
            %mul3A_133 = arith.muli %add3A_126, %mul3A_132 : i32
            %add3A_134 = vector.broadcast %mul3A_133 : i32 to vector<16xi32>
            %add3A_135 = arith.addi %add3A_134, %iota3A : vector<16xi32>
            tpu.vector_store_idx %arg11[%add3A_116, %add3A_135], %get3A_131 {add = true} : memref<328x256xf32, #tpu.memory_space<vmem>>[vector<16xi32>, vector<16xi32>], vector<16xf32>,
          }
          %scan3A_121 = arith.constant 16 : i32
        }
      }
    }
    %scan3A_12 = arith.constant 40 : i32
    %mul3A_13 = arith.constant 16 : i32
    %mul3A_14 = arith.muli %arg0, %mul3A_13 : i32
    %add3A_15 = arith.addi %mul3A_14, %arg1 : i32
    "tpu.region"() ({
      %run_scoped3A = tpu.sem_alloc : memref<!tpu.dma_semaphore, #tpu.memory_space<semaphore_mem>>
      %dma_start3A = arith.constant 0 : i32
      %dma_start3A_16 = arith.constant 0 : i32
      %dma_start3A_17 = tpu.memref_slice %arg11[%dma_start3A, %dma_start3A_16] : memref<328x256xf32, #tpu.memory_space<vmem>> -> memref<320x256xf32, #tpu.memory_space<vmem>>
      %dma_start3A_18 = arith.constant 0 : i32
      %dma_start3A_19 = arith.constant 0 : i32
      %dma_start3A_20 = tpu.memref_slice %arg5[%add3A_15, %dma_start3A_18, %dma_start3A_19] : memref<32x320x256xf32, #tpu.memory_space<hbm>> -> memref<1x320x256xf32, #tpu.memory_space<hbm>>
      %dma_start3A_21 = tpu.memref_squeeze %dma_start3A_20 : memref<1x320x256xf32, #tpu.memory_space<hbm>> -> memref<320x256xf32, #tpu.memory_space<hbm>>
      %dma_start3A_22 = arith.constant 0 : i32
      %dma_start3A_23 = arith.constant 0 : i32
      %dma_start3A_24 = tpu.memref_slice %arg5[%add3A_15, %dma_start3A_22, %dma_start3A_23] : memref<32x320x256xf32, #tpu.memory_space<hbm>> -> memref<1x320x256xf32, #tpu.memory_space<hbm>>
      %dma_start3A_25 = tpu.memref_squeeze %dma_start3A_24 : memref<1x320x256xf32, #tpu.memory_space<hbm>> -> memref<320x256xf32, #tpu.memory_space<hbm>>
      %dma_start3A_26 = arith.constant 0 : i32
      %dma_start3A_27 = arith.constant 0 : i32
      %dma_start3A_28 = tpu.memref_slice %arg11[%dma_start3A_26, %dma_start3A_27] : memref<328x256xf32, #tpu.memory_space<vmem>> -> memref<320x256xf32, #tpu.memory_space<vmem>>
      tpu.enqueue_dma source(%dma_start3A_28 : memref<320x256xf32, #tpu.memory_space<vmem>>) target(%dma_start3A_25 : memref<320x256xf32, #tpu.memory_space<hbm>>) target_semaphore(%run_scoped3A : memref<!tpu.dma_semaphore, #tpu.memory_space<semaphore_mem>>)
      %dma_wait3A = arith.constant 0 : i32
      %dma_wait3A_29 = arith.constant 0 : i32
      %dma_wait3A_30 = tpu.memref_slice %arg11[%dma_wait3A, %dma_wait3A_29] : memref<328x256xf32, #tpu.memory_space<vmem>> -> memref<320x256xf32, #tpu.memory_space<vmem>>
      %dma_wait3A_31 = arith.constant 0 : i32
      %dma_wait3A_32 = arith.constant 0 : i32
      %dma_wait3A_33 = tpu.memref_slice %arg5[%add3A_15, %dma_wait3A_31, %dma_wait3A_32] : memref<32x320x256xf32, #tpu.memory_space<hbm>> -> memref<1x320x256xf32, #tpu.memory_space<hbm>>
      %dma_wait3A_34 = tpu.memref_squeeze %dma_wait3A_33 : memref<1x320x256xf32, #tpu.memory_space<hbm>> -> memref<320x256xf32, #tpu.memory_space<hbm>>
      %dma_wait3A_35 = arith.constant 0 : i32
      %dma_wait3A_36 = arith.constant 0 : i32
      %dma_wait3A_37 = tpu.memref_slice %arg5[%add3A_15, %dma_wait3A_35, %dma_wait3A_36] : memref<32x320x256xf32, #tpu.memory_space<hbm>> -> memref<1x320x256xf32, #tpu.memory_space<hbm>>
      %dma_wait3A_38 = tpu.memref_squeeze %dma_wait3A_37 : memref<1x320x256xf32, #tpu.memory_space<hbm>> -> memref<320x256xf32, #tpu.memory_space<hbm>>
      %dma_wait3A_39 = arith.constant 0 : i32
      %dma_wait3A_40 = arith.constant 0 : i32
      %dma_wait3A_41 = tpu.memref_slice %arg11[%dma_wait3A_39, %dma_wait3A_40] : memref<328x256xf32, #tpu.memory_space<vmem>> -> memref<320x256xf32, #tpu.memory_space<vmem>>
      tpu.wait_dma2 semaphore(%run_scoped3A : memref<!tpu.dma_semaphore, #tpu.memory_space<semaphore_mem>>) src(%dma_wait3A_41 : memref<320x256xf32, #tpu.memory_space<vmem>>) dst(%dma_wait3A_38 : memref<320x256xf32, #tpu.memory_space<hbm>>)
      tpu.yield
    }) : () -> ()
    return
  }
}

#map = affine_map<(d0, d1) -> (0)>
#map1 = affine_map<(d0, d1) -> (0, 0, 0, 0)>
module attributes {stable_mosaic.version = 14 : i64} {
  func.func @_deg_kernel(%arg0: i32, %arg1: i32, %arg2: memref<160000xi32, #tpu.memory_space<hbm>>, %arg3: memref<2x16x80x64xf32, #tpu.memory_space<hbm>>, %arg4: memref<10000xi32, #tpu.memory_space<vmem>>, %arg5: memref<80x64xf32, #tpu.memory_space<vmem>>, %arg6: memref<!tpu.dma_semaphore, #tpu.memory_space<semaphore_mem>>) attributes {dimension_semantics = [#tpu.dimension_semantics<core_parallel>, #tpu.dimension_semantics<subcore_parallel>], iteration_bounds = array<i64: 2, 16>, scalar_prefetch = 0 : i64, scratch_operands = 3 : i64, tpu.core_type = #tpu.core_type<sc_vector_subcore>, window_params = [{transform_indices = #map}, {transform_indices = #map1}]} {
    %scan3A = arith.constant 0 : i32
    %scan3A_0 = arith.constant 80 : i32
    %scan3A_1 = arith.addi %scan3A, %scan3A_0 : i32
    %scan3A_2 = arith.constant 1 : i32
    scf.for %scan3A_13 = %scan3A to %scan3A_1 step %scan3A_2  : i32 {
      %mul3A_14 = arith.constant 1 : i32
      %mul3A_15 = arith.muli %scan3A_13, %mul3A_14 : i32
      %add3A = arith.constant 0 : i32
      %add3A_16 = arith.addi %add3A, %mul3A_15 : i32
      %scan3A_17 = arith.constant 0 : i32
      %scan3A_18 = arith.constant 4 : i32
      %scan3A_19 = arith.addi %scan3A_17, %scan3A_18 : i32
      %scan3A_20 = arith.constant 1 : i32
      scf.for %scan3A_22 = %scan3A_17 to %scan3A_19 step %scan3A_20  : i32 {
        %mul3A_23 = arith.constant 1 : i32
        %mul3A_24 = arith.muli %scan3A_22, %mul3A_23 : i32
        %add3A_25 = arith.constant 0 : i32
        %add3A_26 = arith.addi %add3A_25, %mul3A_24 : i32
        %broadcast_in_dim3A_27 = arith.constant 0.000000e+00 : f32
        %broadcast_in_dim3A_28 = vector.broadcast %broadcast_in_dim3A_27 : f32 to vector<16xf32>
        %mul3A_29 = arith.constant 16 : i32
        %mul3A_30 = arith.muli %add3A_26, %mul3A_29 : i32
        %swap3A = arith.index_cast %add3A_16 : i32 to index
        %swap3A_31 = arith.index_cast %mul3A_30 : i32 to index
        %swap3A_32 = tpu.vector_load %arg5[%swap3A, %swap3A_31] {strides = array<i32>} : memref<80x64xf32, #tpu.memory_space<vmem>>, vector<16xf32>,
        tpu.vector_store %arg5[%swap3A, %swap3A_31], %broadcast_in_dim3A_28 {strides = array<i32>} : memref<80x64xf32, #tpu.memory_space<vmem>>, vector<16xf32>,
      }
      %scan3A_21 = arith.constant 4 : i32
    }
    %scan3A_3 = arith.constant 80 : i32
    %mul3A = arith.constant 10000 : i32
    %mul3A_4 = arith.muli %arg1, %mul3A : i32
    "tpu.region"() ({
      %run_scoped3A = tpu.sem_alloc : memref<!tpu.dma_semaphore, #tpu.memory_space<semaphore_mem>>
      %dma_start3A = tpu.memref_slice %arg2[%mul3A_4] : memref<160000xi32, #tpu.memory_space<hbm>> -> memref<10000xi32, #tpu.memory_space<hbm>>
      %dma_start3A_13 = tpu.memref_slice %arg2[%mul3A_4] : memref<160000xi32, #tpu.memory_space<hbm>> -> memref<10000xi32, #tpu.memory_space<hbm>>
      tpu.enqueue_dma source(%dma_start3A_13 : memref<10000xi32, #tpu.memory_space<hbm>>) target(%arg4 : memref<10000xi32, #tpu.memory_space<vmem>>) target_semaphore(%run_scoped3A : memref<!tpu.dma_semaphore, #tpu.memory_space<semaphore_mem>>)
      %dma_wait3A = tpu.memref_slice %arg2[%mul3A_4] : memref<160000xi32, #tpu.memory_space<hbm>> -> memref<10000xi32, #tpu.memory_space<hbm>>
      %dma_wait3A_14 = tpu.memref_slice %arg2[%mul3A_4] : memref<160000xi32, #tpu.memory_space<hbm>> -> memref<10000xi32, #tpu.memory_space<hbm>>
      tpu.wait_dma2 semaphore(%run_scoped3A : memref<!tpu.dma_semaphore, #tpu.memory_space<semaphore_mem>>) src(%dma_wait3A_14 : memref<10000xi32, #tpu.memory_space<hbm>>) dst(%arg4 : memref<10000xi32, #tpu.memory_space<vmem>>)
      tpu.yield
    }) : () -> ()
    %mul3A_5 = arith.constant 5000 : i32
    %mul3A_6 = arith.muli %arg0, %mul3A_5 : i32
    %broadcast_in_dim3A = arith.constant 1.000000e+00 : f32
    %broadcast_in_dim3A_7 = vector.broadcast %broadcast_in_dim3A : f32 to vector<16xf32>
    %scan3A_8 = arith.constant 0 : i32
    %scan3A_9 = arith.constant 625 : i32
    %scan3A_10 = arith.addi %scan3A_8, %scan3A_9 : i32
    %scan3A_11 = arith.constant 1 : i32
    scf.for %scan3A_13 = %scan3A_8 to %scan3A_10 step %scan3A_11  : i32 {
      %mul3A_14 = arith.constant 1 : i32
      %mul3A_15 = arith.muli %scan3A_13, %mul3A_14 : i32
      %add3A = arith.constant 0 : i32
      %add3A_16 = arith.addi %add3A, %mul3A_15 : i32
      %mul3A_17 = arith.constant 16 : i32
      %mul3A_18 = arith.muli %add3A_16, %mul3A_17 : i32
      %get3A = arith.index_cast %mul3A_18 : i32 to index
      %get3A_19 = tpu.vector_load %arg4[%get3A] {strides = array<i32>} : memref<10000xi32, #tpu.memory_space<vmem>>, vector<16xi32>,
      %sub3A = vector.broadcast %mul3A_6 : i32 to vector<16xi32>
      %sub3A_20 = arith.subi %get3A_19, %sub3A : vector<16xi32>
      %ge3A = arith.constant 0 : i32
      %ge3A_21 = vector.broadcast %ge3A : i32 to vector<16xi32>
      %ge3A_22 = arith.cmpi sge, %sub3A_20, %ge3A_21 : vector<16xi32>
      %lt3A = arith.constant 5000 : i32
      %lt3A_23 = vector.broadcast %lt3A : i32 to vector<16xi32>
      %lt3A_24 = arith.cmpi slt, %sub3A_20, %lt3A_23 : vector<16xi32>
      %and3A = arith.andi %ge3A_22, %lt3A_24 : vector<16xi1>
      %jit3A = arith.constant 0 : i32
      %broadcast_in_dim3A_25 = vector.broadcast %jit3A : i32 to vector<16xi32>
      %select_n3A = arith.select %and3A, %sub3A_20, %broadcast_in_dim3A_25 : vector<16xi1>, vector<16xi32>
      %shift_right_arithmetic3A = arith.constant 6 : i32
      %shift_right_arithmetic3A_26 = vector.broadcast %shift_right_arithmetic3A : i32 to vector<16xi32>
      %shift_right_arithmetic3A_27 = arith.shrsi %select_n3A, %shift_right_arithmetic3A_26 : vector<16xi32>
      %and3A_28 = arith.constant 63 : i32
      %and3A_29 = vector.broadcast %and3A_28 : i32 to vector<16xi32>
      %and3A_30 = arith.andi %select_n3A, %and3A_29 : vector<16xi32>
      tpu.vector_store_idx %arg5[%shift_right_arithmetic3A_27, %and3A_30], %broadcast_in_dim3A_7 masked %and3A {add = true} : memref<80x64xf32, #tpu.memory_space<vmem>>[vector<16xi32>, vector<16xi32>], vector<16xf32>, vector<16xi1>
    }
    %scan3A_12 = arith.constant 625 : i32
    "tpu.region"() ({
      %run_scoped3A = tpu.sem_alloc : memref<!tpu.dma_semaphore, #tpu.memory_space<semaphore_mem>>
      %dma_start3A = arith.constant 0 : i32
      %dma_start3A_13 = arith.constant 0 : i32
      %dma_start3A_14 = arith.constant 0 : i32
      %dma_start3A_15 = tpu.memref_slice %arg3[%arg0, %dma_start3A, %dma_start3A_13, %dma_start3A_14] : memref<2x16x80x64xf32, #tpu.memory_space<hbm>> -> memref<1x16x80x64xf32, #tpu.memory_space<hbm>>
      %dma_start3A_16 = tpu.memref_squeeze %dma_start3A_15 : memref<1x16x80x64xf32, #tpu.memory_space<hbm>> -> memref<16x80x64xf32, #tpu.memory_space<hbm>>
      %dma_start3A_17 = arith.constant 0 : i32
      %dma_start3A_18 = arith.constant 0 : i32
      %dma_start3A_19 = tpu.memref_slice %dma_start3A_16[%arg1, %dma_start3A_17, %dma_start3A_18] : memref<16x80x64xf32, #tpu.memory_space<hbm>> -> memref<1x80x64xf32, #tpu.memory_space<hbm>>
      %dma_start3A_20 = tpu.memref_squeeze %dma_start3A_19 : memref<1x80x64xf32, #tpu.memory_space<hbm>> -> memref<80x64xf32, #tpu.memory_space<hbm>>
      %dma_start3A_21 = arith.constant 0 : i32
      %dma_start3A_22 = arith.constant 0 : i32
      %dma_start3A_23 = arith.constant 0 : i32
      %dma_start3A_24 = tpu.memref_slice %arg3[%arg0, %dma_start3A_21, %dma_start3A_22, %dma_start3A_23] : memref<2x16x80x64xf32, #tpu.memory_space<hbm>> -> memref<1x16x80x64xf32, #tpu.memory_space<hbm>>
      %dma_start3A_25 = tpu.memref_squeeze %dma_start3A_24 : memref<1x16x80x64xf32, #tpu.memory_space<hbm>> -> memref<16x80x64xf32, #tpu.memory_space<hbm>>
      %dma_start3A_26 = arith.constant 0 : i32
      %dma_start3A_27 = arith.constant 0 : i32
      %dma_start3A_28 = tpu.memref_slice %dma_start3A_25[%arg1, %dma_start3A_26, %dma_start3A_27] : memref<16x80x64xf32, #tpu.memory_space<hbm>> -> memref<1x80x64xf32, #tpu.memory_space<hbm>>
      %dma_start3A_29 = tpu.memref_squeeze %dma_start3A_28 : memref<1x80x64xf32, #tpu.memory_space<hbm>> -> memref<80x64xf32, #tpu.memory_space<hbm>>
      tpu.enqueue_dma source(%arg5 : memref<80x64xf32, #tpu.memory_space<vmem>>) target(%dma_start3A_29 : memref<80x64xf32, #tpu.memory_space<hbm>>) target_semaphore(%run_scoped3A : memref<!tpu.dma_semaphore, #tpu.memory_space<semaphore_mem>>)
      %dma_wait3A = arith.constant 0 : i32
      %dma_wait3A_30 = arith.constant 0 : i32
      %dma_wait3A_31 = arith.constant 0 : i32
      %dma_wait3A_32 = tpu.memref_slice %arg3[%arg0, %dma_wait3A, %dma_wait3A_30, %dma_wait3A_31] : memref<2x16x80x64xf32, #tpu.memory_space<hbm>> -> memref<1x16x80x64xf32, #tpu.memory_space<hbm>>
      %dma_wait3A_33 = tpu.memref_squeeze %dma_wait3A_32 : memref<1x16x80x64xf32, #tpu.memory_space<hbm>> -> memref<16x80x64xf32, #tpu.memory_space<hbm>>
      %dma_wait3A_34 = arith.constant 0 : i32
      %dma_wait3A_35 = arith.constant 0 : i32
      %dma_wait3A_36 = tpu.memref_slice %dma_wait3A_33[%arg1, %dma_wait3A_34, %dma_wait3A_35] : memref<16x80x64xf32, #tpu.memory_space<hbm>> -> memref<1x80x64xf32, #tpu.memory_space<hbm>>
      %dma_wait3A_37 = tpu.memref_squeeze %dma_wait3A_36 : memref<1x80x64xf32, #tpu.memory_space<hbm>> -> memref<80x64xf32, #tpu.memory_space<hbm>>
      %dma_wait3A_38 = arith.constant 0 : i32
      %dma_wait3A_39 = arith.constant 0 : i32
      %dma_wait3A_40 = arith.constant 0 : i32
      %dma_wait3A_41 = tpu.memref_slice %arg3[%arg0, %dma_wait3A_38, %dma_wait3A_39, %dma_wait3A_40] : memref<2x16x80x64xf32, #tpu.memory_space<hbm>> -> memref<1x16x80x64xf32, #tpu.memory_space<hbm>>
      %dma_wait3A_42 = tpu.memref_squeeze %dma_wait3A_41 : memref<1x16x80x64xf32, #tpu.memory_space<hbm>> -> memref<16x80x64xf32, #tpu.memory_space<hbm>>
      %dma_wait3A_43 = arith.constant 0 : i32
      %dma_wait3A_44 = arith.constant 0 : i32
      %dma_wait3A_45 = tpu.memref_slice %dma_wait3A_42[%arg1, %dma_wait3A_43, %dma_wait3A_44] : memref<16x80x64xf32, #tpu.memory_space<hbm>> -> memref<1x80x64xf32, #tpu.memory_space<hbm>>
      %dma_wait3A_46 = tpu.memref_squeeze %dma_wait3A_45 : memref<1x80x64xf32, #tpu.memory_space<hbm>> -> memref<80x64xf32, #tpu.memory_space<hbm>>
      tpu.wait_dma2 semaphore(%run_scoped3A : memref<!tpu.dma_semaphore, #tpu.memory_space<semaphore_mem>>) src(%arg5 : memref<80x64xf32, #tpu.memory_space<vmem>>) dst(%dma_wait3A_46 : memref<80x64xf32, #tpu.memory_space<hbm>>)
      tpu.yield
    }) : () -> ()
    return
  }
}

module attributes {stable_mosaic.version = 14 : i64} {
  func.func @_dense_body(%arg0: i32, %arg1: memref<400x256xf32, #tpu.memory_space<vmem>>, %arg2: memref<256x256xf32, #tpu.memory_space<vmem>>, %arg3: memref<1x256xf32, #tpu.memory_space<vmem>>, %arg4: memref<256x256xf32, #tpu.memory_space<vmem>>, %arg5: memref<1x256xf32, #tpu.memory_space<vmem>>, %arg6: memref<400x16xf32, #tpu.memory_space<vmem>>, %arg7: memref<400x256xf32, #tpu.memory_space<vmem>>, %arg8: memref<400x256xf32, #tpu.memory_space<vmem>>, %arg9: memref<400x1xf32, #tpu.memory_space<vmem>>) attributes {dimension_semantics = [#tpu.dimension_semantics<arbitrary>], iteration_bounds = array<i64: 25>, scalar_prefetch = 0 : i64, scratch_operands = 0 : i64, tpu.core_type = #tpu.core_type<tc>, window_params = [{transform_indices = @transform_0, window_bounds = array<i64: 400, 256>}, {pipeline_mode = #tpu.pipeline_mode<synchronous>, transform_indices = @transform_1, window_bounds = array<i64: 256, 256>}, {pipeline_mode = #tpu.pipeline_mode<synchronous>, transform_indices = @transform_2, window_bounds = array<i64: 1, 256>}, {pipeline_mode = #tpu.pipeline_mode<synchronous>, transform_indices = @transform_3, window_bounds = array<i64: 256, 256>}, {pipeline_mode = #tpu.pipeline_mode<synchronous>, transform_indices = @transform_4, window_bounds = array<i64: 1, 256>}, {transform_indices = @transform_5, window_bounds = array<i64: 400, 16>}, {transform_indices = @transform_6, window_bounds = array<i64: 400, 256>}, {transform_indices = @transform_7, window_bounds = array<i64: 400, 256>}, {transform_indices = @transform_8, window_bounds = array<i64: 400, 1>}]} {
    %get3A = arith.constant 0 : index
    %get3A_0 = arith.constant 0 : index
    %get3A_1 = vector.load %arg1[%get3A, %get3A_0] : memref<400x256xf32, #tpu.memory_space<vmem>>, vector<400x256xf32>
    %get3A_2 = arith.constant 0 : index
    %get3A_3 = arith.constant 0 : index
    %get3A_4 = vector.load %arg2[%get3A_2, %get3A_3] : memref<256x256xf32, #tpu.memory_space<vmem>>, vector<256x256xf32>
    %dot_general3A = arith.constant dense<0.000000e+00> : vector<400x256xf32>
    %dot_general3A_5 = tpu.matmul %get3A_1, %get3A_4, %dot_general3A {dimension_numbers = #tpu.dot_dimension_numbers<[1], [0], [0], [1], [0, 0, 1, 1], [], []>, transpose_lhs_hint = false} : vector<400x256xf32>, vector<256x256xf32>, vector<400x256xf32> -> vector<400x256xf32>
    %get3A_6 = arith.constant 0 : index
    %get3A_7 = arith.constant 0 : index
    %get3A_8 = vector.load %arg3[%get3A_6, %get3A_7] : memref<1x256xf32, #tpu.memory_space<vmem>>, vector<1x256xf32>
    %add3A = vector.broadcast %get3A_8 : vector<1x256xf32> to vector<400x256xf32>
    %add3A_9 = arith.addf %dot_general3A_5, %add3A : vector<400x256xf32>
    %max3A = arith.constant 0.000000e+00 : f32
    %max3A_10 = vector.broadcast %max3A : f32 to vector<400x256xf32>
    %max3A_11 = arith.maximumf %add3A_9, %max3A_10 : vector<400x256xf32>
    %get3A_12 = arith.constant 0 : index
    %get3A_13 = arith.constant 0 : index
    %get3A_14 = vector.load %arg5[%get3A_12, %get3A_13] : memref<1x256xf32, #tpu.memory_space<vmem>>, vector<1x256xf32>
    %add3A_15 = vector.broadcast %get3A_14 : vector<1x256xf32> to vector<400x256xf32>
    %add3A_16 = arith.addf %max3A_11, %add3A_15 : vector<400x256xf32>
    %swap3A = arith.constant 0 : index
    %swap3A_17 = arith.constant 0 : index
    %swap3A_18 = vector.load %arg7[%swap3A, %swap3A_17] : memref<400x256xf32, #tpu.memory_space<vmem>>, vector<400x256xf32>
    tpu.vector_store %arg7[%swap3A, %swap3A_17], %add3A_16 {strides = array<i32>} : memref<400x256xf32, #tpu.memory_space<vmem>>, vector<400x256xf32>,
    %get3A_19 = arith.constant 0 : index
    %get3A_20 = arith.constant 0 : index
    %get3A_21 = vector.load %arg4[%get3A_19, %get3A_20] : memref<256x256xf32, #tpu.memory_space<vmem>>, vector<256x256xf32>
    %dot_general3A_22 = arith.constant dense<0.000000e+00> : vector<400x256xf32>
    %dot_general3A_23 = tpu.matmul %get3A_1, %get3A_21, %dot_general3A_22 {dimension_numbers = #tpu.dot_dimension_numbers<[1], [0], [0], [1], [0, 0, 1, 1], [], []>, transpose_lhs_hint = false} : vector<400x256xf32>, vector<256x256xf32>, vector<400x256xf32> -> vector<400x256xf32>
    %get3A_24 = arith.constant 0 : index
    %get3A_25 = arith.constant 0 : index
    %get3A_26 = vector.load %arg6[%get3A_24, %get3A_25] : memref<400x16xf32, #tpu.memory_space<vmem>>, vector<400x16xf32>
    %reduce_sum3A = arith.constant dense<0.000000e+00> : vector<400xf32>
    %reduce_sum3A_27 = vector.multi_reduction <add>, %get3A_26, %reduce_sum3A [1] : vector<400x16xf32> to vector<400xf32>
    %broadcast_in_dim3A = vector.shape_cast %reduce_sum3A_27 : vector<400xf32> to vector<400x1xf32>
    %gt3A = arith.constant 0.000000e+00 : f32
    %gt3A_28 = vector.broadcast %gt3A : f32 to vector<400x1xf32>
    %gt3A_29 = arith.cmpf ogt, %broadcast_in_dim3A, %gt3A_28 : vector<400x1xf32>
    %rsqrt3A = math.rsqrt %broadcast_in_dim3A : vector<400x1xf32>
    %jit3A = arith.constant 0.000000e+00 : f32
    %broadcast_in_dim3A_30 = vector.broadcast %jit3A : f32 to vector<400x1xf32>
    %select_n3A = arith.select %gt3A_29, %rsqrt3A, %broadcast_in_dim3A_30 : vector<400x1xi1>, vector<400x1xf32>
    %swap3A_31 = arith.constant 0 : index
    %swap3A_32 = arith.constant 0 : index
    %swap3A_33 = vector.load %arg9[%swap3A_31, %swap3A_32] : memref<400x1xf32, #tpu.memory_space<vmem>>, vector<400x1xf32>
    tpu.vector_store %arg9[%swap3A_31, %swap3A_32], %select_n3A {strides = array<i32>} : memref<400x1xf32, #tpu.memory_space<vmem>>, vector<400x1xf32>,
    %mul3A = vector.broadcast %select_n3A : vector<400x1xf32> to vector<400x256xf32>
    %mul3A_34 = arith.mulf %dot_general3A_23, %mul3A : vector<400x256xf32>
    %swap3A_35 = arith.constant 0 : index
    %swap3A_36 = arith.constant 0 : index
    %swap3A_37 = vector.load %arg8[%swap3A_35, %swap3A_36] : memref<400x256xf32, #tpu.memory_space<vmem>>, vector<400x256xf32>
    tpu.vector_store %arg8[%swap3A_35, %swap3A_36], %mul3A_34 {strides = array<i32>} : memref<400x256xf32, #tpu.memory_space<vmem>>, vector<400x256xf32>,
    return
  }
  func.func @transform_0(%arg0: i32) -> (i32, i32) {
    %c0_i32 = arith.constant 0 : i32
    %c0_i32_0 = arith.constant 0 : i32
    return %arg0, %c0_i32 : i32, i32
  }
  func.func @transform_1(%arg0: i32) -> (i32, i32) {
    %c0_i32 = arith.constant 0 : i32
    %c0_i32_0 = arith.constant 0 : i32
    %c0_i32_1 = arith.constant 0 : i32
    return %c0_i32, %c0_i32_0 : i32, i32
  }
  func.func @transform_2(%arg0: i32) -> (i32, i32) {
    %c0_i32 = arith.constant 0 : i32
    %c0_i32_0 = arith.constant 0 : i32
    %c0_i32_1 = arith.constant 0 : i32
    return %c0_i32, %c0_i32_0 : i32, i32
  }
  func.func @transform_3(%arg0: i32) -> (i32, i32) {
    %c0_i32 = arith.constant 0 : i32
    %c0_i32_0 = arith.constant 0 : i32
    %c0_i32_1 = arith.constant 0 : i32
    return %c0_i32, %c0_i32_0 : i32, i32
  }
  func.func @transform_4(%arg0: i32) -> (i32, i32) {
    %c0_i32 = arith.constant 0 : i32
    %c0_i32_0 = arith.constant 0 : i32
    %c0_i32_1 = arith.constant 0 : i32
    return %c0_i32, %c0_i32_0 : i32, i32
  }
  func.func @transform_5(%arg0: i32) -> (i32, i32) {
    %c0_i32 = arith.constant 0 : i32
    %c0_i32_0 = arith.constant 0 : i32
    return %arg0, %c0_i32 : i32, i32
  }
  func.func @transform_6(%arg0: i32) -> (i32, i32) {
    %c0_i32 = arith.constant 0 : i32
    %c0_i32_0 = arith.constant 0 : i32
    return %arg0, %c0_i32 : i32, i32
  }
  func.func @transform_7(%arg0: i32) -> (i32, i32) {
    %c0_i32 = arith.constant 0 : i32
    %c0_i32_0 = arith.constant 0 : i32
    return %arg0, %c0_i32 : i32, i32
  }
  func.func @transform_8(%arg0: i32) -> (i32, i32) {
    %c0_i32 = arith.constant 0 : i32
    %c0_i32_0 = arith.constant 0 : i32
    return %arg0, %c0_i32 : i32, i32
  }
}

module attributes {stable_mosaic.version = 14 : i64} {
  func.func @_combine_body(%arg0: i32, %arg1: memref<400x256xf32, #tpu.memory_space<vmem>>, %arg2: memref<400x1xf32, #tpu.memory_space<vmem>>, %arg3: memref<400x256xf32, #tpu.memory_space<vmem>>, %arg4: memref<400x256xf32, #tpu.memory_space<vmem>>) attributes {dimension_semantics = [#tpu.dimension_semantics<arbitrary>], iteration_bounds = array<i64: 25>, scalar_prefetch = 0 : i64, scratch_operands = 0 : i64, tpu.core_type = #tpu.core_type<tc>, window_params = [{transform_indices = @transform_0, window_bounds = array<i64: 400, 256>}, {transform_indices = @transform_1, window_bounds = array<i64: 400, 1>}, {transform_indices = @transform_2, window_bounds = array<i64: 400, 256>}, {transform_indices = @transform_3, window_bounds = array<i64: 400, 256>}]} {
    %get3A = arith.constant 0 : index
    %get3A_0 = arith.constant 0 : index
    %get3A_1 = vector.load %arg1[%get3A, %get3A_0] : memref<400x256xf32, #tpu.memory_space<vmem>>, vector<400x256xf32>
    %get3A_2 = arith.constant 0 : index
    %get3A_3 = arith.constant 0 : index
    %get3A_4 = vector.load %arg2[%get3A_2, %get3A_3] : memref<400x1xf32, #tpu.memory_space<vmem>>, vector<400x1xf32>
    %get3A_5 = arith.constant 0 : index
    %get3A_6 = arith.constant 0 : index
    %get3A_7 = vector.load %arg3[%get3A_5, %get3A_6] : memref<400x256xf32, #tpu.memory_space<vmem>>, vector<400x256xf32>
    %mul3A = vector.broadcast %get3A_4 : vector<400x1xf32> to vector<400x256xf32>
    %mul3A_8 = arith.mulf %mul3A, %get3A_7 : vector<400x256xf32>
    %add3A = arith.addf %get3A_1, %mul3A_8 : vector<400x256xf32>
    %swap3A = arith.constant 0 : index
    %swap3A_9 = arith.constant 0 : index
    %swap3A_10 = vector.load %arg4[%swap3A, %swap3A_9] : memref<400x256xf32, #tpu.memory_space<vmem>>, vector<400x256xf32>
    tpu.vector_store %arg4[%swap3A, %swap3A_9], %add3A {strides = array<i32>} : memref<400x256xf32, #tpu.memory_space<vmem>>, vector<400x256xf32>,
    return
  }
  func.func @transform_0(%arg0: i32) -> (i32, i32) {
    %c0_i32 = arith.constant 0 : i32
    %c0_i32_0 = arith.constant 0 : i32
    return %arg0, %c0_i32 : i32, i32
  }
  func.func @transform_1(%arg0: i32) -> (i32, i32) {
    %c0_i32 = arith.constant 0 : i32
    %c0_i32_0 = arith.constant 0 : i32
    return %arg0, %c0_i32 : i32, i32
  }
  func.func @transform_2(%arg0: i32) -> (i32, i32) {
    %c0_i32 = arith.constant 0 : i32
    %c0_i32_0 = arith.constant 0 : i32
    return %arg0, %c0_i32 : i32, i32
  }
  func.func @transform_3(%arg0: i32) -> (i32, i32) {
    %c0_i32 = arith.constant 0 : i32
    %c0_i32_0 = arith.constant 0 : i32
    return %arg0, %c0_i32 : i32, i32
  }
}

</mosaic_0001>

<sc_bundles>
// kernel: kernel.6.cloned.1.call-start
scs
__scs_entry_jumppad:
0x0: {  	(pc) =	sbr.rel $0x88, $3  }
0x1: {  	(tag) =	ssettag $0x0;
	lr =	simm.s32 $0x1  }
0x2: {  	[smem:$0x3F9B] =	sst lr;
	_ =	strace $0xD0000000  }
0x3: {  	_ = 	snop  }
0x4: {  	_ = 	snop  }
0x5: {  	_ = 	snop  }
0x6: {  	_ = 	snop  }
0x7: {  	_ = 	snop  }
__scs_overlays_trampoline_lowered:
0x8: {  	[smem:$0x3FAA] =	sst s0  }
0x9: {  	[smem:$0x3FAB] =	sst s1  }
0xa: {  	[smem:$0x3FAC] =	sst s2  }
0xb: {  	[smem:$0x3FAD] =	sst s3  }
0xc: {  	[smem:$0x3FAE] =	sst s4  }
0xd: {  	[smem:$0x3FAF] =	sst s5  }
0xe: {  	[smem:$0x3FB0] =	sst s6  }
0xf: {  	[smem:$0x3FB1] =	sst s7  }
0x10: {  	[smem:$0x3FB2] =	sst s8  }
0x11: {  	[smem:$0x3FB3] =	sst s9;
	s0 =	simm.s32 @!p0 $0x0  }
0x12: {  	s1 =	sld [smem:$0x3F99];
	s0 =	simm.s32 @p0 $0x1  }
0x13: {  	[smem:$0x3FB4] =	sst s0;
	s0 =	simm.s32 @!p1 $0x0  }
0x14: {  	s2 =	sld [smem:$0x3F98];
	s0 =	simm.s32 @p1 $0x1  }
0x15: {  	[smem:$0x3FB5] =	sst s0;
	s0 =	simm.s32 @!p2 $0x0  }
0x16: {  	s3 =	sld [smem:$0x3FDB];
	s0 =	simm.s32 @p2 $0x1  }
0x17: {  	s4 =	simm.s32 $0x1BF5;
	[smem:$0x3FB7] =	sst s0  }
0x18: {  	s0 =	sld [smem:$0x3F9A];
	_ =	swait.ge [sflag:s4], $0x0  }
0x19: {  	s7 =	sld [smem:$0x3F9B]  }
0x1a: {  	s8 =	sadd.s32 $0xFFFFE003, lr  }
0x1b: {  	s9 =	sadd.s32 $0xFFFFFEF7, lr;
	s5 =	simm.s32 $0xFFFFFFFF;
	p2 =	slt.u32 s8, $0xFFFFF086  }
0x1c: {  	p1 =	slt.u32 s9, $0xF7A;
	s5 =	simm.s32 @!p2 $0x0  }
0x1d: {  	s5 =	simm.s32 @p1 $0x1;
	p0 =	seq.s32 s7, s2  }
0x1e: {  	s7 =	smul.u32 @!p0 $0xF7A, s2;
	p2 =	seq.s32 @!p0 s5, $0x0  }
0x1f: {  	s9 =	smul.u32 $0xF7A, s1;
	s8 =	simm.s32 @!p0 $0x1BF5;
	p2 =	por !p2, p0  }
0x20: {  	[sflag:s8] =	ssyncset.s32 @!p0 $0xFFFFF086;
	s6 =	sadd.s32 @!p0 s3, s7;
	s7 =	simm.s32 @!p0 $0x108  }
0x21: {  	s3 =	sadd.s32 s3, s9;
	s6 =	sadd.s32 @!p0 $0x88, s6;
	s7 =	simm.s32 @p2 $0x1082  }
0x22: {  	[simem:s7], [sflag:s8] =	dma.local @!p0 [hbm:s6], $0xF7A  }
0x23: {  	s9 =	sor.u32 $0xD0000000, s2;
	s6 =	simm.s32 $0x108;
	_ =	swait.ge @!p0 [sflag:s8], $0x0  }
0x24: {  	s3 =	sadd.s32 $0x88, s3;
	s6 =	simm.s32 @!p1 $0x1082;
	[sflag:s4] =	ssyncset.s32 $0xFFFFF086  }
0x25: {  	[simem:s6], [sflag:s4] =	dma.local [hbm:s3], $0xF7A  }
0x26: {  	[smem:$0x3F9B] =	sst s1;
	(tag) =	ssettag s2;
	_ =	strace s9  }
0x27: {  	s1 =	sld [smem:$0x3FAB]  }
0x28: {  	s2 =	sld [smem:$0x3FAC]  }
0x29: {  	s4 =	sld [smem:$0x3FAE]  }
0x2a: {  	p0 =	seq.s32 s5, $0x0;
	s5 =	sld [smem:$0x3FAF]  }
0x2b: {  	s6 =	sld [smem:$0x3FB0]  }
0x2c: {  	s7 =	sld [smem:$0x3FB1]  }
0x2d: {  	s3 =	simm.s32 $0x108;
	s8 =	sld [smem:$0x3FB2]  }
0x2e: {  	s3 =	simm.s32 @!p0 $0x1082;
	s9 =	sld [smem:$0x3FB3]  }
0x2f: {  	lr =	sadd.s32 s0, s3;
	s0 =	sld [smem:$0x3FAA]  }
0x30: {  	s3 =	sld [smem:$0x3FAD]  }
0x31: {  	[smem:$0x3FB6] =	sst s10  }
0x32: {  	s10 =	sld [smem:$0x3FB4];
	_ =	sdelay $0x3  }
0x33: {  	p0 =	seq.s32 s10, $0x1;
	s10 =	sld [smem:$0x3FB6];
	_ =	sdelay $0x3  }
0x34: {  	[smem:$0x3FB6] =	sst s10  }
0x35: {  	s10 =	sld [smem:$0x3FB5];
	_ =	sdelay $0x3  }
0x36: {  	p1 =	seq.s32 s10, $0x1;
	s10 =	sld [smem:$0x3FB6];
	_ =	sdelay $0x3  }
0x37: {  	[smem:$0x3FB6] =	sst s10  }
0x38: {  	s10 =	sld [smem:$0x3FB7]  }
0x39: {  	_ = 	snop;
	(pc) =	sbr.ind lr, $3  }
0x3a: {  	_ = 	snop  }
0x3b: {  	_ = 	snop  }
0x3c: {  	p2 =	seq.s32 s10, $0x1;
	s10 =	sld [smem:$0x3FB6]  }
0x3d: {  	_ =	shalt  }
0x3e: {  	_ =	shalt  }
0x3f: {  	_ =	shalt  }
0x40: {  	_ =	shalt  }
0x41: {  	_ =	shalt  }
0x42: {  	_ =	shalt  }
0x43: {  	_ =	shalt  }
0x44: {  	_ =	shalt  }
0x45: {  	_ =	shalt  }
0x46: {  	_ =	shalt  }
0x47: {  	_ =	shalt  }
0x48: {  	_ =	shalt  }
0x49: {  	_ =	shalt  }
0x4a: {  	_ =	shalt  }
0x4b: {  	_ =	shalt  }
0x4c: {  	_ =	shalt  }
0x4d: {  	_ =	shalt  }
0x4e: {  	_ =	shalt  }
0x4f: {  	_ =	shalt  }
0x50: {  	_ =	shalt  }
0x51: {  	_ =	shalt  }
0x52: {  	_ =	shalt  }
0x53: {  	_ =	shalt  }
0x54: {  	_ =	shalt  }
0x55: {  	_ =	shalt  }
0x56: {  	_ =	shalt  }
0x57: {  	_ =	shalt  }
0x58: {  	_ =	shalt  }
0x59: {  	_ =	shalt  }
0x5a: {  	_ =	shalt  }
0x5b: {  	_ =	shalt  }
0x5c: {  	_ =	shalt  }
0x5d: {  	_ =	shalt  }
0x5e: {  	_ =	shalt  }
0x5f: {  	_ =	shalt  }
0x60: {  	_ =	shalt  }
0x61: {  	_ =	shalt  }
0x62: {  	_ =	shalt  }
0x63: {  	_ =	shalt  }
0x64: {  	_ =	shalt  }
0x65: {  	_ =	shalt  }
0x66: {  	_ =	shalt  }
0x67: {  	_ =	shalt  }
0x68: {  	_ =	shalt  }
0x69: {  	_ =	shalt  }
0x6a: {  	_ =	shalt  }
0x6b: {  	_ =	shalt  }
0x6c: {  	_ =	shalt  }
0x6d: {  	_ =	shalt  }
0x6e: {  	_ =	shalt  }
0x6f: {  	_ =	shalt  }
0x70: {  	_ =	shalt  }
0x71: {  	_ =	shalt  }
0x72: {  	_ =	shalt  }
0x73: {  	_ =	shalt  }
0x74: {  	_ =	shalt  }
0x75: {  	_ =	shalt  }
0x76: {  	_ =	shalt  }
0x77: {  	_ =	shalt  }
0x78: {  	_ =	shalt  }
0x79: {  	_ =	shalt  }
0x7a: {  	_ =	shalt  }
0x7b: {  	_ =	shalt  }
0x7c: {  	_ =	shalt  }
0x7d: {  	_ =	shalt  }
0x7e: {  	_ =	shalt  }
0x7f: {  	_ =	shalt  }
0x80: {  	_ =	shalt  }
0x81: {  	_ =	shalt  }
0x82: {  	_ =	shalt  }
0x83: {  	_ =	shalt  }
0x84: {  	_ =	shalt  }
0x85: {  	_ =	shalt  }
0x86: {  	_ =	shalt  }
0x87: {  	_ =	shalt  }
.Lfunc_end0:
.L_simem_size_0:
called_computation_lowered:
.L_overlay_start_0:
0x88: {  	s2 =	sld [smem:$0x3FD9]  }
0x89: {  	s3 =	sld [smem:$0x3FFE];
	_ =	sdelay $0x1  }
0x8a: {  	s1 =	srdreg.scid  }
0x8b: {  	s0 =	sand.u32 $0x1, s1  }
0x8c: {  	s17 =	sshll.u32 s0, $0xA;
	s2 =	sadd.s32 s3, s2  }
0x8d: {  	s2 =	sadd.s32 s2, s17  }
0x8e: {  	[smem:$0x3FC2] =	sst s2  }
0x8f: {  	_ = 	snop  }
0x90: {  	s2 =	sld [smem:$0x3FD0];
	(tm) =	ssettm $0x1  }
0x91: {  	s18 =	sld [smem:$0x3FFB];
	_ =	sdelay $0x3  }
0x92: {  	_ =	strace s18  }
0x93: {  	s3 =	sld [smem:$0x3FFC];
	_ =	sdelay $0x3  }
0x94: {  	_ =	strace s3  }
0x95: {  	s3 =	sld [smem:$0x3FFD];
	_ =	sdelay $0x3  }
0x96: {  	_ =	strace s3  }
0x97: {  	_ =	strace $0x8FFFFFFF  }
0x98: {  	s19 =	sld [smem:$0x3FDB];
	_ =	sdelay $0x1  }
0x99: {  	s4 =	simm.s32 $_scs_section_size  }
0x9a: {  	s5 =	simm.s32 $_size__tile_overlayer_lowered;
	s6 =	simm.s32 $_tile_overlayer_lowered  }
0x9b: {  	s22 =	simm.s32 $0x1BFF;
	s21 =	sshll.u32 s6, $0x1;
	s3 =	sadd.s32 s4, s19  }
0x9c: {  	s7 =	simm.s32 $0x0;
	s20 =	sshll.u32 s5, $0x1;
	s5 =	sadd.s32 s21, s3  }
0x9d: {  	[timem:s7], [sflag:s22] =	dma.local [hbm:s5], s20  }
0x9e: {  	_ =	swait.ge [sflag:s22], s20  }
0x9f: {  	s4 =	ssub.s32 $0x0, s20;
	[sflag:s22] =	ssyncset.done $0x0  }
0xa0: {  	[sflag:s22] =	ssyncadd.s32 s4;
	_ =	sdelay $0x1  }
0xa1: {  	s23 =	simm.s32 $0x1B8B  }
0xa2: {  	_ =	swait.ge [sflag:s23], $0x1  }
0xa3: {  	[sflag:s23] =	ssyncset.done $0x0  }
0xa4: {  	s25 =	simm.s32 $0x1B8E;
	s24 =	sld [smem:$0x3FFE];
	[sflag:s23] =	ssyncadd.s32 $0xFFFFFFFF  }
0xa5: {  	s26 =	simm.s32 $execute0_lowered;
	[smem:$0x3FD2] =	sst s25  }
0xa6: {  	s5 =	sshll.u32 s26, $0x1;
	_ =	strace $0x80000046;
	[dreg:$0x1] =	wrdreg $0xFFFFFFFF  }
0xa7: {  	s28 =	simm.s32 $_size_execute0_lowered;
	s3 =	sadd.s32 s3, s5;
	[dreg:$0x0] =	wrdreg $0x0  }
0xa8: {  	s5 =	sshll.u32 s28, $0x1;
	[dreg:$0x2] =	wrdreg s3  }
0xa9: {  	[dreg:$0x3] =	wrdreg s5  }
0xaa: {  	[dreg:$0x4] =	wrdreg $0xC0  }
0xab: {  	_ =	task [dreg:s7], $0x5FFFF  }
0xac: {  	[dreg:$0x1] =	wrdreg $0xFFFFFFFF  }
0xad: {  	[dreg:$0x0] =	wrdreg $0x60  }
0xae: {  	[dreg:$0x2] =	wrdreg s24  }
0xaf: {  	[dreg:$0x3] =	wrdreg s2  }
0xb0: {  	[dreg:$0x4] =	wrdreg $0x9  }
0xb1: {  	_ =	task.clear_ibuf [dreg:s7], $0x5FFFF;
	_ =	strace $0x90000046  }
0xb2: {  	s29 =	simm.s32 $0x9;
	_ =	strace $0x80000048  }
0xb3: {  	_ =	swait.ge [sflag:s29], $0x1  }
0xb4: {  	[sflag:s29] =	ssyncadd.s32 $0xFFFFFFFF  }
0xb5: {  	_ =	strace $0x90000048  }
0xb6: {  	_ =	sfence  }
0xb7: {  	s30 =	sld [smem:$0x0];
	_ =	sdelay $0x2  }
0xb8: {  	s31 =	sshll.u32 s1, $0xD;
	s1 =	sshrl.u32 s1, $0x2  }
0xb9: {  	s3 =	sand.u32 $0x4000, s31;
	s1 =	sadd.s32 s1, s30  }
0xba: {  	s0 =	sor.u32 s3, s0;
	s1 =	sshll.u32 s1, $0x11  }
0xbb: {  	s0 =	sor.u32 s1, s0  }
0xbc: {  	s0 =	sadd.s32 $0x8F2B, s0  }
0xbd: {  	[sflag:s0] =	ssyncadd.remote.s32 $0x1  }
0xbe: {  	_ =	sfence.sel $0xFFFF  }
0xbf: {  	[dreg:$0x0] =	wrdreg $0xFFFFFFFF;
	(pc) =	sbr.abs _section_cstart, $3  }
0xc0: {  	[dreg:$0x1] =	wrdreg $0xFFFFFFFF  }
0xc1: {  	_ =	task.clear_ibuf [dreg:s7], $0x2FFFF;
	_ =	strace $0x9FFFFFFF  }
0xc2: {  	(tm) =	ssettm $0x7FFFFFFF  }
0xc3: {  	_ =	shalt  }
tec
execute0_lowered:
.L_overlay_start_1:
0x0: {  	(tag) =	ssettag $0x1  }
0x1: {  	s3 =	rddreg [dreg:$0x0]  }
0x2: {  	s4 =	rddreg [dreg:$0x1]  }
0x3: {  	s0 =	rddreg [dreg:$0x2];
	s1 =	stileid.u32  }
0x4: {  	s5 =	srdreg.scid;
	s6 =	smul.u32 $0x4E2, s1  }
0x5: {  	s2 =	simm.s32 $0x0;
	s5 =	sand.u32 $0x1, s5;
	s31 =	smul.u32 $0x500, s1  }
0x6: {  	[smem:$0x7FF] =	sst s2;
	s7 =	ssub.s32 $0x2, s5;
	s8 =	smul.u32 $0xFFFFEC78, s5  }
0x7: {  	s5 =	smul.u32 $0x5000, s5;
	s3 =	sadd.s32 s6, s3;
	s30 =	sshrl.u32 s7, $0x1  }
0x8: {  	_ =	strace $0x80000047;
	s6 =	ssub.s32 s7, s30;
	s3 =	sadd.s32 $0x5C00, s3  }
0x9: {  	s9 =	sadd.s32 s4, s5;
	s5 =	simm.s32 $0x1;
	v0 =	vmov s8;
	s8 =	simm.s32 $0x0  }
0xa: {  	v1 =	vimm.f32 $0.0e+00;
	v2 =	vimm.f32 $1.000000000e+00;
	s4 =	smax.u32 s6, $0x1;
	s6 =	simm.s32 $0x2780;
	s7 =	sadd.s32 s31, s9  }
.LBB2_1:
0xb: {  	s10 =	simm.s32 $0x200;
	s9 =	simm.s32 $0x0  }
.LBB2_2:
0xc: {  	p0 =	sne.s32 s10, $0x9E00;
	[tilespmem:s9+$0x27B0] =	vst v1;
	s11 =	smov.u32 s10;
	s10 =	sadd.s32 $0x200, s10  }
.Ltmp0:
0xd: {  	[tilespmem:s9+$0x27A0] =	vst v1;
	(pc) =	sbr.rel @p0 .LBB2_2-.Ltmp0, $3  }
0xe: {  	[tilespmem:s9+$0x2780] =	vst v1  }
0xf: {  	[tilespmem:s9+$0x2790] =	vst v1;
	_ =	sdelay $0x1  }
0x10: {  	s9 =	sshra.s32 s11, $0x2  }
0x11: {  	[tilespmem:s9+$0x27B0] =	vst v1  }
0x12: {  	[tilespmem:s9+$0x27A0] =	vst v1  }
0x13: {  	[tilespmem:s9+$0x2780] =	vst v1  }
0x14: {  	[tilespmem:s9+$0x2790] =	vst v1;
	s31 =	simm.s32 $0x0  }
0x15: {  	[tilespmem:s31], [sflag:$0x1] =	stream.linear.gather [hbm4b:s3+s31], $0x2710, $0x38;
	[tilespmem:$0x4F80] =	vst v63  }
0x16: {  	_ =	swait.ge [sflag:s5], $0x2710  }
0x17: {  	[sflag:s5] =	ssyncset.done $0x0  }
0x18: {  	s10 =	simm.s32 $0x0;
	s9 =	simm.s32 $0x40;
	[sflag:s5] =	ssyncadd.s32 $0xFFFFD8F0  }
.LBB2_4:
0x19: {  	p0 =	sne.s32 s9, $0x9C00;
	v3 =	vld [tilespmem:s10+$0x0];
	_ =	sdelay $0x4  }
0x1a: {  	v3 =	vadd.s32 v0, v3  }
0x1b: {  	vm0 =	vlt.u32 v3, $0x1388  }
0x1c: {  	v3 =	vnsel vm0, $0x0, v3  }
0x1d: {  	v4 =	vshll.u32 v3, $0x1  }
0x1e: {  	v3 =	vand.u32 $0x3F, v3;
	v4 =	vand.u32 $0xFFFFFF80, v4  }
0x1f: {  	v3 =	vor.u32 v3, v4  }
.Ltmp1:
0x20: {  	(pc) =	sbr.rel @p0 .LBB2_4-.Ltmp1, $2  }
0x21: {  	_ =	sdelay $0x2  }
0x22: {  	s10 =	sshra.s32 s9, $0x2;
	s9 =	sadd.s32 $0x40, s9;
	[tilespmem:v3+s6+$0x0] =	vst.idx.add.f32.msk vm0, v2  }
0x23: {  	v3 =	vld [tilespmem:s10+$0x0];
	_ =	sdelay $0x4  }
0x24: {  	v3 =	vadd.s32 v0, v3  }
0x25: {  	vm0 =	vlt.u32 v3, $0x1388  }
0x26: {  	v3 =	vnsel vm0, $0x0, v3  }
0x27: {  	v4 =	vshll.u32 v3, $0x1  }
0x28: {  	v3 =	vand.u32 $0x3F, v3;
	v4 =	vand.u32 $0xFFFFFF80, v4  }
0x29: {  	v3 =	vor.u32 v3, v4;
	_ =	sdelay $0x2  }
0x2a: {  	s8 =	sadd.s32 $0x1, s8  }
0x2b: {  	p0 =	sne.s32 s8, s4  }
.Ltmp2:
0x2c: {  	[tilespmem:v3+s6+$0x0] =	vst.idx.add.f32.msk vm0, v2;
	(pc) =	sbr.rel @p0 .LBB2_1-.Ltmp2, $4  }
0x2d: {  	[hbm4b:s7+s2] =	stream.linear.scatter [tilespmem:s6], [sflag:$0x1], $0x2800, $0x38;
	[tilespmem:$0x4F80] =	vst v63  }
0x2e: {  	_ =	swait.ge [sflag:s5], $0x2800  }
0x2f: {  	[sflag:s5] =	ssyncset.done $0x0  }
0x30: {  	[sflag:s5] =	ssyncadd.s32 $0xFFFFD800  }
0x31: {  	_ =	sfence.sel $0x180000  }
0x32: {  	[bflag:$0x0] =	sbarrier.arrive $0xFFFF  }
0x33: {  	p0 =	sne.s32 s1, $0x0;
	_ =	strace $0x90000047  }
0x34: {  	s0 =	sadd.s32 @!p0 $0x100000, s0;
	[bflag:$0x2] =	sbarrier.arrive $0xFFFF  }
0x35: {  	[sflag:s0] =	ssyncadd.tile.s32 @!p0 $0x1;
	_ =	shalt  }
.Lfunc_end2:
_tile_overlayer_lowered:
.L_overlay_start_2:
0x36: {  	(tag) =	ssettag $0x2  }
0x37: {  	s0 =	rddreg [dreg:$0x0];
	s2 =	stileid.u32  }
0x38: {  	s1 =	rddreg [dreg:$0x1];
	p0 =	sne.s32 s2, $0x0  }
0x39: {  	s3 =	rddreg [dreg:$0x2];
	[bflag:$0x3] =	sbarrier.arrive $0xFFFF;
	s2 =	simm.s32 @!p0 $0x1C01  }
0x3a: {  	[timem:s3], [sflag:s2] =	dma.local @!p0 [hbm:s0], s1  }
0x3b: {  	s0 =	simm.s32 @!p0 $0x1  }
0x3c: {  	_ =	swait.ge @!p0 [sflag:s0], s1  }
0x3d: {  	s1 =	ssub.s32 @!p0 $0x0, s1;
	[sflag:s0] =	ssyncset.done @!p0 $0x0  }
0x3e: {  	[sflag:s0] =	ssyncadd.s32 @!p0 s1  }
0x3f: {  	[bflag:$0x3] =	sbarrier.arrive $0xFFFF  }
0x40: {  	_ =	shalt  }

// kernel: kernel.9.cloned.1.call-start
scs
__scs_entry_jumppad:
0x0: {  	(pc) =	sbr.rel $0x88, $3  }
0x1: {  	(tag) =	ssettag $0x0;
	lr =	simm.s32 $0x1  }
0x2: {  	[smem:$0x3F9B] =	sst lr;
	_ =	strace $0xD0000000  }
0x3: {  	_ = 	snop  }
0x4: {  	_ = 	snop  }
0x5: {  	_ = 	snop  }
0x6: {  	_ = 	snop  }
0x7: {  	_ = 	snop  }
__scs_overlays_trampoline_lowered:
0x8: {  	[smem:$0x3FAA] =	sst s0  }
0x9: {  	[smem:$0x3FAB] =	sst s1  }
0xa: {  	[smem:$0x3FAC] =	sst s2  }
0xb: {  	[smem:$0x3FAD] =	sst s3  }
0xc: {  	[smem:$0x3FAE] =	sst s4  }
0xd: {  	[smem:$0x3FAF] =	sst s5  }
0xe: {  	[smem:$0x3FB0] =	sst s6  }
0xf: {  	[smem:$0x3FB1] =	sst s7  }
0x10: {  	[smem:$0x3FB2] =	sst s8  }
0x11: {  	[smem:$0x3FB3] =	sst s9;
	s0 =	simm.s32 @!p0 $0x0  }
0x12: {  	s1 =	sld [smem:$0x3F99];
	s0 =	simm.s32 @p0 $0x1  }
0x13: {  	[smem:$0x3FB4] =	sst s0;
	s0 =	simm.s32 @!p1 $0x0  }
0x14: {  	s2 =	sld [smem:$0x3F98];
	s0 =	simm.s32 @p1 $0x1  }
0x15: {  	[smem:$0x3FB5] =	sst s0;
	s0 =	simm.s32 @!p2 $0x0  }
0x16: {  	s3 =	sld [smem:$0x3FDB];
	s0 =	simm.s32 @p2 $0x1  }
0x17: {  	s4 =	simm.s32 $0x1BF5;
	[smem:$0x3FB7] =	sst s0  }
0x18: {  	s0 =	sld [smem:$0x3F9A];
	_ =	swait.ge [sflag:s4], $0x0  }
0x19: {  	s7 =	sld [smem:$0x3F9B]  }
0x1a: {  	s8 =	sadd.s32 $0xFFFFE003, lr  }
0x1b: {  	s9 =	sadd.s32 $0xFFFFFEF7, lr;
	s5 =	simm.s32 $0xFFFFFFFF;
	p2 =	slt.u32 s8, $0xFFFFF086  }
0x1c: {  	p1 =	slt.u32 s9, $0xF7A;
	s5 =	simm.s32 @!p2 $0x0  }
0x1d: {  	s5 =	simm.s32 @p1 $0x1;
	p0 =	seq.s32 s7, s2  }
0x1e: {  	s7 =	smul.u32 @!p0 $0xF7A, s2;
	p2 =	seq.s32 @!p0 s5, $0x0  }
0x1f: {  	s9 =	smul.u32 $0xF7A, s1;
	s8 =	simm.s32 @!p0 $0x1BF5;
	p2 =	por !p2, p0  }
0x20: {  	[sflag:s8] =	ssyncset.s32 @!p0 $0xFFFFF086;
	s6 =	sadd.s32 @!p0 s3, s7;
	s7 =	simm.s32 @!p0 $0x108  }
0x21: {  	s3 =	sadd.s32 s3, s9;
	s6 =	sadd.s32 @!p0 $0x88, s6;
	s7 =	simm.s32 @p2 $0x1082  }
0x22: {  	[simem:s7], [sflag:s8] =	dma.local @!p0 [hbm:s6], $0xF7A  }
0x23: {  	s9 =	sor.u32 $0xD0000000, s2;
	s6 =	simm.s32 $0x108;
	_ =	swait.ge @!p0 [sflag:s8], $0x0  }
0x24: {  	s3 =	sadd.s32 $0x88, s3;
	s6 =	simm.s32 @!p1 $0x1082;
	[sflag:s4] =	ssyncset.s32 $0xFFFFF086  }
0x25: {  	[simem:s6], [sflag:s4] =	dma.local [hbm:s3], $0xF7A  }
0x26: {  	[smem:$0x3F9B] =	sst s1;
	(tag) =	ssettag s2;
	_ =	strace s9  }
0x27: {  	s1 =	sld [smem:$0x3FAB]  }
0x28: {  	s2 =	sld [smem:$0x3FAC]  }
0x29: {  	s4 =	sld [smem:$0x3FAE]  }
0x2a: {  	p0 =	seq.s32 s5, $0x0;
	s5 =	sld [smem:$0x3FAF]  }
0x2b: {  	s6 =	sld [smem:$0x3FB0]  }
0x2c: {  	s7 =	sld [smem:$0x3FB1]  }
0x2d: {  	s3 =	simm.s32 $0x108;
	s8 =	sld [smem:$0x3FB2]  }
0x2e: {  	s3 =	simm.s32 @!p0 $0x1082;
	s9 =	sld [smem:$0x3FB3]  }
0x2f: {  	lr =	sadd.s32 s0, s3;
	s0 =	sld [smem:$0x3FAA]  }
0x30: {  	s3 =	sld [smem:$0x3FAD]  }
0x31: {  	[smem:$0x3FB6] =	sst s10  }
0x32: {  	s10 =	sld [smem:$0x3FB4];
	_ =	sdelay $0x3  }
0x33: {  	p0 =	seq.s32 s10, $0x1;
	s10 =	sld [smem:$0x3FB6];
	_ =	sdelay $0x3  }
0x34: {  	[smem:$0x3FB6] =	sst s10  }
0x35: {  	s10 =	sld [smem:$0x3FB5];
	_ =	sdelay $0x3  }
0x36: {  	p1 =	seq.s32 s10, $0x1;
	s10 =	sld [smem:$0x3FB6];
	_ =	sdelay $0x3  }
0x37: {  	[smem:$0x3FB6] =	sst s10  }
0x38: {  	s10 =	sld [smem:$0x3FB7]  }
0x39: {  	_ = 	snop;
	(pc) =	sbr.ind lr, $3  }
0x3a: {  	_ = 	snop  }
0x3b: {  	_ = 	snop  }
0x3c: {  	p2 =	seq.s32 s10, $0x1;
	s10 =	sld [smem:$0x3FB6]  }
0x3d: {  	_ =	shalt  }
0x3e: {  	_ =	shalt  }
0x3f: {  	_ =	shalt  }
0x40: {  	_ =	shalt  }
0x41: {  	_ =	shalt  }
0x42: {  	_ =	shalt  }
0x43: {  	_ =	shalt  }
0x44: {  	_ =	shalt  }
0x45: {  	_ =	shalt  }
0x46: {  	_ =	shalt  }
0x47: {  	_ =	shalt  }
0x48: {  	_ =	shalt  }
0x49: {  	_ =	shalt  }
0x4a: {  	_ =	shalt  }
0x4b: {  	_ =	shalt  }
0x4c: {  	_ =	shalt  }
0x4d: {  	_ =	shalt  }
0x4e: {  	_ =	shalt  }
0x4f: {  	_ =	shalt  }
0x50: {  	_ =	shalt  }
0x51: {  	_ =	shalt  }
0x52: {  	_ =	shalt  }
0x53: {  	_ =	shalt  }
0x54: {  	_ =	shalt  }
0x55: {  	_ =	shalt  }
0x56: {  	_ =	shalt  }
0x57: {  	_ =	shalt  }
0x58: {  	_ =	shalt  }
0x59: {  	_ =	shalt  }
0x5a: {  	_ =	shalt  }
0x5b: {  	_ =	shalt  }
0x5c: {  	_ =	shalt  }
0x5d: {  	_ =	shalt  }
0x5e: {  	_ =	shalt  }
0x5f: {  	_ =	shalt  }
0x60: {  	_ =	shalt  }
0x61: {  	_ =	shalt  }
0x62: {  	_ =	shalt  }
0x63: {  	_ =	shalt  }
0x64: {  	_ =	shalt  }
0x65: {  	_ =	shalt  }
0x66: {  	_ =	shalt  }
0x67: {  	_ =	shalt  }
0x68: {  	_ =	shalt  }
0x69: {  	_ =	shalt  }
0x6a: {  	_ =	shalt  }
0x6b: {  	_ =	shalt  }
0x6c: {  	_ =	shalt  }
0x6d: {  	_ =	shalt  }
0x6e: {  	_ =	shalt  }
0x6f: {  	_ =	shalt  }
0x70: {  	_ =	shalt  }
0x71: {  	_ =	shalt  }
0x72: {  	_ =	shalt  }
0x73: {  	_ =	shalt  }
0x74: {  	_ =	shalt  }
0x75: {  	_ =	shalt  }
0x76: {  	_ =	shalt  }
0x77: {  	_ =	shalt  }
0x78: {  	_ =	shalt  }
0x79: {  	_ =	shalt  }
0x7a: {  	_ =	shalt  }
0x7b: {  	_ =	shalt  }
0x7c: {  	_ =	shalt  }
0x7d: {  	_ =	shalt  }
0x7e: {  	_ =	shalt  }
0x7f: {  	_ =	shalt  }
0x80: {  	_ =	shalt  }
0x81: {  	_ =	shalt  }
0x82: {  	_ =	shalt  }
0x83: {  	_ =	shalt  }
0x84: {  	_ =	shalt  }
0x85: {  	_ =	shalt  }
0x86: {  	_ =	shalt  }
0x87: {  	_ =	shalt  }
.Lfunc_end0:
.L_simem_size_0:
called_computation.1_lowered:
.L_overlay_start_0:
0x88: {  	s2 =	sld [smem:$0x3FD9]  }
0x89: {  	s3 =	sld [smem:$0x3FFE];
	_ =	sdelay $0x1  }
0x8a: {  	s1 =	srdreg.scid  }
0x8b: {  	s0 =	sand.u32 $0x1, s1  }
0x8c: {  	s17 =	sshll.u32 s0, $0xA;
	s2 =	sadd.s32 s3, s2  }
0x8d: {  	s2 =	sadd.s32 s2, s17  }
0x8e: {  	[smem:$0x3FC2] =	sst s2  }
0x8f: {  	_ = 	snop  }
0x90: {  	s2 =	sld [smem:$0x3FD0];
	(tm) =	ssettm $0x1  }
0x91: {  	s18 =	sld [smem:$0x3FFB];
	_ =	sdelay $0x3  }
0x92: {  	_ =	strace s18  }
0x93: {  	s3 =	sld [smem:$0x3FFC];
	_ =	sdelay $0x3  }
0x94: {  	_ =	strace s3  }
0x95: {  	s3 =	sld [smem:$0x3FFD];
	_ =	sdelay $0x3  }
0x96: {  	_ =	strace s3  }
0x97: {  	_ =	strace $0x8FFFFFFF  }
0x98: {  	s19 =	sld [smem:$0x3FDB];
	_ =	sdelay $0x1  }
0x99: {  	s4 =	simm.s32 $_scs_section_size  }
0x9a: {  	s5 =	simm.s32 $_size__tile_overlayer_lowered;
	s6 =	simm.s32 $_tile_overlayer_lowered  }
0x9b: {  	s22 =	simm.s32 $0x1BFF;
	s21 =	sshll.u32 s6, $0x1;
	s3 =	sadd.s32 s4, s19  }
0x9c: {  	s7 =	simm.s32 $0x0;
	s20 =	sshll.u32 s5, $0x1;
	s5 =	sadd.s32 s21, s3  }
0x9d: {  	[timem:s7], [sflag:s22] =	dma.local [hbm:s5], s20  }
0x9e: {  	_ =	swait.ge [sflag:s22], s20  }
0x9f: {  	s4 =	ssub.s32 $0x0, s20;
	[sflag:s22] =	ssyncset.done $0x0  }
0xa0: {  	[sflag:s22] =	ssyncadd.s32 s4;
	_ =	sdelay $0x1  }
0xa1: {  	s23 =	simm.s32 $0x1B8B  }
0xa2: {  	_ =	swait.ge [sflag:s23], $0x1  }
0xa3: {  	[sflag:s23] =	ssyncset.done $0x0  }
0xa4: {  	s25 =	simm.s32 $0x1B8E;
	s24 =	sld [smem:$0x3FFE];
	[sflag:s23] =	ssyncadd.s32 $0xFFFFFFFF  }
0xa5: {  	s26 =	simm.s32 $execute0_lowered;
	[smem:$0x3FD2] =	sst s25  }
0xa6: {  	s5 =	sshll.u32 s26, $0x1;
	_ =	strace $0x80000049;
	[dreg:$0x1] =	wrdreg $0xFFFFFFFF  }
0xa7: {  	s28 =	simm.s32 $_size_execute0_lowered;
	s3 =	sadd.s32 s3, s5;
	[dreg:$0x0] =	wrdreg $0x0  }
0xa8: {  	s5 =	sshll.u32 s28, $0x1;
	[dreg:$0x2] =	wrdreg s3  }
0xa9: {  	[dreg:$0x3] =	wrdreg s5  }
0xaa: {  	[dreg:$0x4] =	wrdreg $0xC0  }
0xab: {  	_ =	task [dreg:s7], $0x5FFFF  }
0xac: {  	[dreg:$0x1] =	wrdreg $0xFFFFFFFF  }
0xad: {  	[dreg:$0x0] =	wrdreg $0x60  }
0xae: {  	[dreg:$0x2] =	wrdreg s2  }
0xaf: {  	[dreg:$0x3] =	wrdreg s24  }
0xb0: {  	[dreg:$0x4] =	wrdreg $0x9  }
0xb1: {  	_ =	task.clear_ibuf [dreg:s7], $0x5FFFF;
	_ =	strace $0x90000049  }
0xb2: {  	s29 =	simm.s32 $0x9;
	_ =	strace $0x8000004B  }
0xb3: {  	_ =	swait.ge [sflag:s29], $0x1  }
0xb4: {  	[sflag:s29] =	ssyncadd.s32 $0xFFFFFFFF  }
0xb5: {  	_ =	strace $0x9000004B  }
0xb6: {  	_ =	sfence  }
0xb7: {  	s30 =	sld [smem:$0x0];
	_ =	sdelay $0x2  }
0xb8: {  	s31 =	sshll.u32 s1, $0xD;
	s1 =	sshrl.u32 s1, $0x2  }
0xb9: {  	s3 =	sand.u32 $0x4000, s31;
	s1 =	sadd.s32 s1, s30  }
0xba: {  	s0 =	sor.u32 s3, s0;
	s1 =	sshll.u32 s1, $0x11  }
0xbb: {  	s0 =	sor.u32 s1, s0  }
0xbc: {  	s0 =	sadd.s32 $0x8F2B, s0  }
0xbd: {  	[sflag:s0] =	ssyncadd.remote.s32 $0x1  }
0xbe: {  	_ =	sfence.sel $0xFFFF  }
0xbf: {  	[dreg:$0x0] =	wrdreg $0xFFFFFFFF;
	(pc) =	sbr.abs _section_cstart, $3  }
0xc0: {  	[dreg:$0x1] =	wrdreg $0xFFFFFFFF  }
0xc1: {  	_ =	task.clear_ibuf [dreg:s7], $0x2FFFF;
	_ =	strace $0x9FFFFFFF  }
0xc2: {  	(tm) =	ssettm $0x7FFFFFFF  }
0xc3: {  	_ =	shalt  }
tec
execute0_lowered:
.L_overlay_start_1:
0x0: {  	(tag) =	ssettag $0x1  }
0x1: {  	s1 =	rddreg [dreg:$0x0]  }
0x2: {  	s0 =	rddreg [dreg:$0x1];
	s2 =	srdreg.scid  }
0x3: {  	s3 =	simm.s32 $0x0;
	s5 =	stileid.u32;
	s10 =	simm.s32 $0x1  }
0x4: {  	s11 =	simm.s32 $0x4000;
	s12 =	simm.s32 $0x4800;
	s13 =	simm.s32 $0x5000  }
0x5: {  	s14 =	simm.s32 $0x5800;
	s15 =	simm.s32 $0x6000;
	s2 =	sand.u32 $0x1, s2  }
0x6: {  	s16 =	simm.s32 $0x6800;
	s17 =	simm.s32 $0x7000;
	s4 =	sshll.u32 s2, $0x4  }
0x7: {  	s18 =	simm.s32 $0x7800;
	s19 =	simm.s32 $0x8000;
	s6 =	sor.u32 s5, s4  }
0x8: {  	s30 =	simm.s32 $0x0;
	s2 =	ssub.s32 $0x2, s2;
	s7 =	smul.u32 $0x2800, s6  }
.Ltmp0:
0x9: {  	[smem:$0x7FF] =	sst s3;
	s8 =	sshrl.u32 s2, $0x1;
	(pc) =	sbr.rel .LBB2_1-.Ltmp0, $4  }
0xa: {  	s4 =	sadd.s32 $0xC00, s0;
	s5 =	sadd.s32 $0x5C00, s0;
	s2 =	ssub.s32 s2, s8  }
0xb: {  	v0 =	vlaneseq.u32;
	v3 =	vimm.f32 $0.0e+00;
	vm0 =	vmmov $0xffff;
	s6 =	smul.u32 $0xFFFFFEC0, s6;
	s31 =	smax.u32 s2, $0x1;
	s0 =	sadd.s32 s7, s0  }
0xc: {  	v2 =	vand.u32 $0x7, v0;
	v5 =	vshrl.u32 v0, $0x3;
	v6 =	vor.u32 $0x8, v0;
	_ =	strace $0x8000004A;
	[dreg:$0x4] =	wrdreg s31;
	s0 =	sadd.s32 $0xAC00, s0  }
0xd: {  	v4 =	vor.u32 $0x140, v2;
	v5 =	vmul.u32 $0x8, v5;
	s8 =	simm.s32 $0x2;
	s2 =	simm.s32 $0x0;
	v1 =	vmov s6;
	[dreg:$0x3] =	wrdreg s0  }
.LBB2_17:
0xe: {  	s0 =	rddreg [dreg:$0x3]  }
0xf: {  	[hbm4b:s0+s3] =	stream.linear.scatter [tilespmem:s19], [sflag:$0x2], $0x14000, $0x38;
	[tilespmem:$0x1C800] =	vst v63  }
0x10: {  	_ =	swait.ge [sflag:s8], $0x14000  }
0x11: {  	s2 =	rddreg [dreg:$0x5]  }
0x12: {  	s31 =	rddreg [dreg:$0x4];
	s2 =	sadd.s32 $0x1, s2  }
0x13: {  	p0 =	sne.s32 s2, s31  }
.Ltmp1:
0x14: {  	_ = 	snop;
	(pc) =	sbr.rel @!p0 .LBB2_18-.Ltmp1, $3  }
0x15: {  	_ =	sdelay $0x1  }
0x16: {  	[sflag:s8] =	ssyncset.done $0x0  }
0x17: {  	[sflag:s8] =	ssyncadd.s32 $0xFFFEC000  }
.LBB2_1:
0x18: {  	s0 =	sand.u32 $0x1F800, s3;
	s29 =	sand.u32 $0x380, s3  }
0x19: {  	s21 =	sor.u32 s29, s0  }
0x1a: {  	[tilespmem:s21+$0x8470] =	vst v3  }
0x1b: {  	[tilespmem:s21+$0x8000] =	vst v3  }
0x1c: {  	[tilespmem:s21+$0x8010] =	vst v3  }
0x1d: {  	[tilespmem:s21+$0x8020] =	vst v3  }
0x1e: {  	[tilespmem:s21+$0x8030] =	vst v3  }
0x1f: {  	[tilespmem:s21+$0x8040] =	vst v3  }
0x20: {  	[tilespmem:s21+$0x8050] =	vst v3  }
0x21: {  	[tilespmem:s21+$0x8060] =	vst v3  }
0x22: {  	[tilespmem:s21+$0x8070] =	vst v3  }
0x23: {  	[tilespmem:s21+$0x8400] =	vst v3  }
0x24: {  	[tilespmem:s21+$0x8410] =	vst v3  }
0x25: {  	[tilespmem:s21+$0x8420] =	vst v3  }
0x26: {  	[tilespmem:s21+$0x8430] =	vst v3  }
0x27: {  	[dreg:$0x5] =	wrdreg s2;
	s31 =	simm.s32 $0x100;
	s22 =	simm.s32 $0x80;
	[tilespmem:s21+$0x8440] =	vst v3  }
0x28: {  	s23 =	simm.s32 $0x200;
	s0 =	sand.u32 $0x1F800, s31;
	s2 =	sand.u32 $0x380, s22;
	[tilespmem:s21+$0x8450] =	vst v3  }
.LBB2_2:
0x29: {  	p0 =	sne.s32 s23, $0x14700;
	[tilespmem:s21+$0x8460] =	vst v3;
	s21 =	sor.u32 s2, s0  }
0x2a: {  	[tilespmem:s21+$0x8470] =	vst v3  }
0x2b: {  	[tilespmem:s21+$0x8000] =	vst v3  }
0x2c: {  	[tilespmem:s21+$0x8010] =	vst v3  }
0x2d: {  	[tilespmem:s21+$0x8020] =	vst v3  }
0x2e: {  	[tilespmem:s21+$0x8030] =	vst v3  }
0x2f: {  	[tilespmem:s21+$0x8040] =	vst v3  }
0x30: {  	[tilespmem:s21+$0x8050] =	vst v3  }
0x31: {  	[tilespmem:s21+$0x8060] =	vst v3  }
0x32: {  	[tilespmem:s21+$0x8070] =	vst v3  }
0x33: {  	[tilespmem:s21+$0x8400] =	vst v3  }
.Ltmp2:
0x34: {  	[tilespmem:s21+$0x8410] =	vst v3;
	(pc) =	sbr.rel @p0 .LBB2_2-.Ltmp2, $4  }
0x35: {  	[tilespmem:s21+$0x8420] =	vst v3  }
0x36: {  	[tilespmem:s21+$0x8430] =	vst v3  }
0x37: {  	s22 =	sadd.s32 $0x80, s22;
	[tilespmem:s21+$0x8440] =	vst v3  }
0x38: {  	s0 =	sand.u32 $0x1F800, s23;
	s23 =	sadd.s32 $0x100, s23;
	s2 =	sand.u32 $0x380, s22;
	[tilespmem:s21+$0x8450] =	vst v3  }
0x39: {  	s0 =	sor.u32 s2, s0;
	[tilespmem:s21+$0x8460] =	vst v3  }
0x3a: {  	[tilespmem:s0+$0x8470] =	vst v3  }
0x3b: {  	[tilespmem:s0+$0x8000] =	vst v3  }
0x3c: {  	[tilespmem:s0+$0x8010] =	vst v3  }
0x3d: {  	[tilespmem:s0+$0x8020] =	vst v3  }
0x3e: {  	[tilespmem:s0+$0x8030] =	vst v3  }
0x3f: {  	[tilespmem:s0+$0x8040] =	vst v3  }
0x40: {  	[tilespmem:s0+$0x8050] =	vst v3  }
0x41: {  	[tilespmem:s0+$0x8060] =	vst v3  }
0x42: {  	[tilespmem:s0+$0x8070] =	vst v3  }
0x43: {  	[tilespmem:s0+$0x8400] =	vst v3  }
0x44: {  	[tilespmem:s0+$0x8410] =	vst v3  }
.Ltmp3:
0x45: {  	[tilespmem:s0+$0x8420] =	vst v3;
	(pc) =	sbr.rel .LBB2_4-.Ltmp3, $4  }
0x46: {  	[tilespmem:s0+$0x8430] =	vst v3  }
0x47: {  	[tilespmem:s0+$0x8440] =	vst v3  }
0x48: {  	[tilespmem:s0+$0x8450] =	vst v3  }
0x49: {  	s21 =	simm.s32 $0x0;
	s22 =	simm.s32 $0x0;
	[tilespmem:s0+$0x8460] =	vst v3  }
.LBB2_16:
0x4a: {  	s22 =	sadd.s32 $0x1, s22  }
0x4b: {  	p0 =	sne.s32 s22, $0x28  }
.Ltmp4:
0x4c: {  	_ = 	snop;
	(pc) =	sbr.rel @!p0 .LBB2_17-.Ltmp4, $1  }
0x4d: {  	_ =	sdelay $0x3  }
.LBB2_4:
0x4e: {  	s0 =	smul.u32 $0x1F4, s22;
	_ =	sdelay $0x1  }
0x4f: {  	s2 =	sadd.s32 s4, s0  }
0x50: {  	[tilespmem:s21], [sflag:$0x2] =	stream.linear.gather [hbm4b:s2+s21], $0xFA0, $0x38;
	[tilespmem:$0x1C800] =	vst v63  }
0x51: {  	_ =	swait.ge [sflag:s8], $0xFA0  }
0x52: {  	s31 =	simm.s32 $0x1000;
	p1 =	por $0x0, $0x0;
	[sflag:s8] =	ssyncset.done $0x0  }
.Ltmp5:
0x53: {  	s0 =	sadd.s32 s5, s0;
	[sflag:s8] =	ssyncadd.s32 $0xFFFFF060;
	(pc) =	sbr.rel @p1 .LBB2_5-.Ltmp5, $4  }
0x54: {  	[tilespmem:s31], [sflag:$0x2] =	stream.linear.gather [hbm4b:s0+s21], $0xFA0, $0x38;
	[tilespmem:$0x1C800] =	vst v63  }
0x55: {  	_ =	swait.ge [sflag:s8], $0xFA0  }
0x56: {  	[sflag:s8] =	ssyncset.done $0x0  }
0x57: {  	p0 =	por $0x0, $0x0;
	s0 =	simm.s32 $0x0;
	[sflag:s8] =	ssyncadd.s32 $0xFFFFF060  }
0x58: {  	v7 =	vld [tilespmem:s0+$0x1000];
	_ =	sdelay $0x4  }
0x59: {  	v7 =	vadd.s32 v1, v7  }
0x5a: {  	vm1 =	vlt.u32 v7, $0x140  }
0x5b: {  	v9 =	vmpcnt.ones.xlane vm1;
	_ =	sdelay $0x1  }
0x5c: {  	v8 =	vld [tilespmem:s0+$0x0];
	(v2sf) =	vpush v9, $0x0  }
0x5d: {  	p1 =	por $0x0, $0x0  }
.Ltmp6:
0x5e: {  	_ = 	snop;
	(pc) =	sbr.rel @p1 .LBB2_7-.Ltmp6, $3  }
0x5f: {  	_ =	sdelay $0x1  }
0x60: {  	s0 =	simm.s32 $0x10;
	[tilespmem:s21+$0x2000] =	vst.msk vm1, v8  }
0x61: {  	s24 =	simm.s32 $0x80;
	p0 =	por $0x1, $0x1;
	s23 =	simm.s32 $0x0;
	[tilespmem:s21+$0x3000] =	vst.msk vm1, v7  }
.LBB2_8:
0x62: {  	p1 =	seq.s32 s24, $0x3E40;
	v7 =	vld [tilespmem:s0+$0x1000];
	_ =	sdelay $0x4  }
0x63: {  	v8 =	vld [tilespmem:s0+$0x0];
	v7 =	vadd.s32 v1, v7  }
0x64: {  	vm1 =	vlt.u32 v7, $0x140  }
0x65: {  	v9 =	vmpcnt.ones.xlane vm1  }
0x66: {  	s0 =	spop (v2sf)  }
0x67: {  	(v2sf) =	vpush v9, $0x0;
	s23 =	sadd.s32 s23, s0  }
0x68: {  	[tilespmem:s23+$0x2000] =	vst.msk vm1, v8  }
.Ltmp7:
0x69: {  	[tilespmem:s23+$0x3000] =	vst.msk vm1, v7;
	(pc) =	sbr.rel @!p1 .LBB2_8-.Ltmp7, $2  }
0x6a: {  	_ =	sdelay $0x2  }
0x6b: {  	s0 =	sshra.s32 s24, $0x2;
	s24 =	sadd.s32 $0x40, s24  }
.LBB2_9:
0x6c: {  	v7 =	vld [tilespmem:s0+$0x1000];
	_ =	sdelay $0x4  }
0x6d: {  	v7 =	vadd.s32 v1, v7  }
0x6e: {  	vm1 =	vlt.u32 v7, $0x140  }
0x6f: {  	v8 =	vmpcnt.ones.xlane vm1;
	_ =	sdelay $0x1  }
0x70: {  	(v2sf) =	vpush v8, $0x0;
	_ =	sdelay $0xb  }
0x71: {  	v8 =	vld [tilespmem:s0+$0x0]  }
0x72: {  	s0 =	spop @p0 (v2sf)  }
0x73: {  	s2 =	simm.s32 $0x0;
	s0 =	sadd.s32 @p0 s23, s0  }
0x74: {  	s2 =	smov.u32 @p0 s0;
	s28 =	spop (v2sf)  }
0x75: {  	s23 =	sadd.s32 s2, s28  }
0x76: {  	[tilespmem:s2+$0x2000] =	vst.msk vm1, v8;
	s0 =	sadd.s32 $0x3F, s23  }
0x77: {  	[tilespmem:s2+$0x3000] =	vst.msk vm1, v7;
	v7 =	vmov s22;
	s29 =	sand.u32 $0x3F, s0  }
0x78: {  	v8 =	vadd.s32 $0x10, v7;
	s6 =	sshra.s32 s0, $0x1F;
	p6 =	slt.s32 s0, $0x1;
	p1 =	sne.s32 s29, $0x0  }
0x79: {  	v8 =	vbroadcast v8, $0x0;
	s31 =	sshrl.u32 s6, $0x1A;
	p0 =	por !p6, !p1  }
0x7a: {  	v9 =	vadd.s32 s22, v0;
	s2 =	simm.s32 $0x1;
	s0 =	sadd.s32 s31, s0;
	p0 =	por !p0, !p0  }
0x7b: {  	v8 =	vadd.s32 v0, v8;
	[tilespmem:s23+$0x2000] =	vst v9;
	s0 =	sshra.s32 s0, $0x6;
	s2 =	simm.s32 @!p0 $0x0  }
0x7c: {  	v63 =	vadd.s32 $0x20, v7;
	v7 =	vadd.s32 $0x30, v7;
	[tilespmem:s23+$0x2010] =	vst v8;
	s24 =	ssub.s32 s0, s2  }
0x7d: {  	v7 =	vbroadcast v7, $0x0;
	[tilespmem:s23+$0x3000] =	vst v4;
	p0 =	sgt.s32 s24, $0x0  }
.Ltmp8:
0x7e: {  	[tilespmem:s23+$0x3010] =	vst v4;
	(pc) =	sbr.rel @p0 .LBB2_10-.Ltmp8, $4  }
.Ltmp9:
0x7f: {  	v7 =	vadd.s32 v0, v7;
	v8 =	vbroadcast v63, $0x0;
	[tilespmem:s23+$0x3020] =	vst v4;
	(pc) =	sbr.rel @!p0 .LBB2_16-.Ltmp9, $4  }
0x80: {  	[tilespmem:s23+$0x2030] =	vst v7  }
0x81: {  	[tilespmem:s23+$0x3030] =	vst v4;
	v8 =	vadd.s32 v0, v8  }
0x82: {  	s25 =	simm.s32 $0x0;
	s26 =	smov.u32 s23;
	[tilespmem:s23+$0x2020] =	vst v8  }
0x83: {  	_ = 	snop  }
.LBB2_15:
0x84: {  	s25 =	sadd.s32 $0x1, s25  }
0x85: {  	p0 =	sne.s32 s25, s24  }
.Ltmp10:
0x86: {  	_ = 	snop;
	(pc) =	sbr.rel @!p0 .LBB2_16-.Ltmp10, $2  }
0x87: {  	_ =	sdelay $0x2  }
0x88: {  	s26 =	sadd.s32 $0xFFFFFFC0, s26  }
.LBB2_10:
0x89: {  	s29 =	sshll.u32 s25, $0x6  }
0x8a: {  	v7 =	vld [tilespmem:s29+$0x2000];
	_ =	sdelay $0x4  }
0x8b: {  	v8 =	vshll.u32 v7, $0x1  }
0x8c: {  	v7 =	vand.u32 $0x7, v7;
	v8 =	vand.u32 $0xFFFFFFF0, v8  }
0x8d: {  	v7 =	vor.u32 v7, v8  }
0x8e: {  	v8 =	vperm.xlane v7, v2;
	_ =	sdelay $0x1  }
0x8f: {  	v7 =	vperm.xlane v7, v6;
	v8 =	vadd.s32 v5, v8;
	_ =	sdelay $0x1  }
0x90: {  	v7 =	vadd.s32 v5, v7;
	_ =	sdelay $0x2  }
0x91: {  	[tilespmem:s11], [sflag:$0x1] =	stream.indirect_vreg.gather [hbm4b:s1+s3], $0x80, v8, vm0, $0xb8;
	[tilespmem:$0x1C800] =	vst v63  }
0x92: {  	_ = 	snop  }
0x93: {  	[tilespmem:s12], [sflag:$0x1] =	stream.indirect_vreg.gather [hbm4b:s1+s3], $0x80, v7, vm0, $0xb8;
	[tilespmem:$0x1C800] =	vst v63  }
0x94: {  	v7 =	vld [tilespmem:s29+$0x2010];
	_ =	sdelay $0x4  }
0x95: {  	v8 =	vshll.u32 v7, $0x1  }
0x96: {  	v7 =	vand.u32 $0x7, v7;
	v8 =	vand.u32 $0xFFFFFFF0, v8  }
0x97: {  	v7 =	vor.u32 v7, v8  }
0x98: {  	v8 =	vperm.xlane v7, v2;
	_ =	sdelay $0x1  }
0x99: {  	v7 =	vperm.xlane v7, v6;
	v8 =	vadd.s32 v5, v8;
	_ =	sdelay $0x1  }
0x9a: {  	v7 =	vadd.s32 v5, v7;
	_ =	sdelay $0x2  }
0x9b: {  	[tilespmem:s13], [sflag:$0x1] =	stream.indirect_vreg.gather [hbm4b:s1+s3], $0x80, v8, vm0, $0xb8;
	[tilespmem:$0x1C800] =	vst v63  }
0x9c: {  	_ = 	snop  }
0x9d: {  	[tilespmem:s14], [sflag:$0x1] =	stream.indirect_vreg.gather [hbm4b:s1+s3], $0x80, v7, vm0, $0xb8;
	[tilespmem:$0x1C800] =	vst v63  }
0x9e: {  	v7 =	vld [tilespmem:s29+$0x2020];
	_ =	sdelay $0x4  }
0x9f: {  	v8 =	vshll.u32 v7, $0x1  }
0xa0: {  	v7 =	vand.u32 $0x7, v7;
	v8 =	vand.u32 $0xFFFFFFF0, v8  }
0xa1: {  	v7 =	vor.u32 v7, v8  }
0xa2: {  	v8 =	vperm.xlane v7, v2;
	_ =	sdelay $0x1  }
0xa3: {  	v7 =	vperm.xlane v7, v6;
	v8 =	vadd.s32 v5, v8;
	_ =	sdelay $0x1  }
0xa4: {  	v7 =	vadd.s32 v5, v7;
	_ =	sdelay $0x2  }
0xa5: {  	[tilespmem:s15], [sflag:$0x1] =	stream.indirect_vreg.gather [hbm4b:s1+s3], $0x80, v8, vm0, $0xb8;
	[tilespmem:$0x1C800] =	vst v63  }
0xa6: {  	_ = 	snop  }
0xa7: {  	[tilespmem:s16], [sflag:$0x1] =	stream.indirect_vreg.gather [hbm4b:s1+s3], $0x80, v7, vm0, $0xb8;
	[tilespmem:$0x1C800] =	vst v63  }
0xa8: {  	v7 =	vld [tilespmem:s29+$0x2030];
	_ =	sdelay $0x4  }
0xa9: {  	v8 =	vshll.u32 v7, $0x1  }
0xaa: {  	v7 =	vand.u32 $0x7, v7;
	v8 =	vand.u32 $0xFFFFFFF0, v8  }
0xab: {  	v7 =	vor.u32 v7, v8  }
0xac: {  	v8 =	vperm.xlane v7, v2;
	_ =	sdelay $0x1  }
0xad: {  	v7 =	vperm.xlane v7, v6;
	v8 =	vadd.s32 v5, v8;
	_ =	sdelay $0x1  }
0xae: {  	v7 =	vadd.s32 v5, v7  }
0xaf: {  	s0 =	ssub.s32 s23, s29  }
0xb0: {  	p0 =	slt.s32 s0, $0x1  }
0xb1: {  	[tilespmem:s17], [sflag:$0x1] =	stream.indirect_vreg.gather [hbm4b:s1+s3], $0x80, v8, vm0, $0xb8;
	[tilespmem:$0x1C800] =	vst v63  }
.Ltmp11:
0xb2: {  	_ = 	snop;
	(pc) =	sbr.rel @p0 .LBB2_15-.Ltmp11, $4  }
0xb3: {  	[tilespmem:s18], [sflag:$0x1] =	stream.indirect_vreg.gather [hbm4b:s1+s3], $0x80, v7, vm0, $0xb8;
	[tilespmem:$0x1C800] =	vst v63  }
0xb4: {  	_ =	swait.ge [sflag:s10], $0x4000  }
0xb5: {  	[sflag:s10] =	ssyncset.done $0x0  }
0xb6: {  	[sflag:s10] =	ssyncadd.s32 $0xFFFFC000  }
0xb7: {  	p0 =	sgt.s32 s26, $0x1;
	s0 =	smov.u32 s26  }
0xb8: {  	s0 =	simm.s32 @!p0 $0x1  }
0xb9: {  	s29 =	sadd.s32 $0x3000, s29;
	s31 =	simm.s32 $0x0;
	s28 =	smin.u32 s0, $0x40  }
.LBB2_12:
0xba: {  	s0 =	sadd.s32 s31, s29  }
0xbb: {  	v7 =	vld.msk [tilespmem:s0+$0x0 ss:$0x0], $0xffff;
	_ =	sdelay $0x2  }
0xbc: {  	s9 =	sshll.u32 s31, $0x8;
	s2 =	sshll.u32 s31, $0x7  }
0xbd: {  	s0 =	sand.u32 $0xFFFFF800, s9;
	s2 =	sand.u32 $0x380, s2  }
0xbe: {  	v9 =	vmov s30;
	s0 =	sor.u32 s2, s0;
	v8 =	vshll.u32 v7, $0x8;
	v7 =	vshll.u32 v7, $0x7  }
0xbf: {  	s20 =	sand.u32 $0x400, s30;
	v9 =	vshll.u32 v9, $0x3;
	s0 =	sadd.s32 $0x4000, s0;
	v8 =	vand.u32 $0xFFFFF800, v8;
	v7 =	vand.u32 $0x380, v7  }
0xc0: {  	s6 =	sand.u32 $0x70, s30;
	v9 =	vand.u32 $0x400, v9;
	s2 =	sadd.s32 s20, s0;
	v7 =	vor.u32 v8, v7;
	v8 =	vor.u32 s30, v0  }
0xc1: {  	s6 =	sadd.s32 s6, s2;
	v10 =	vand.u32 $0x7F, v8;
	v9 =	vor.u32 v9, v7  }
0xc2: {  	s2 =	simm.s32 $0x10;
	v8 =	vld [tilespmem:s6+$0x0];
	s6 =	simm.s32 $0x0;
	v9 =	vor.u32 v10, v9  }
.LBB2_13:
0xc3: {  	p0 =	sne.s32 s2, $0xF0;
	s6 =	sadd.s32 $0x80, s6  }
.Ltmp12:
0xc4: {  	v10 =	vmov s2;
	s7 =	smov.u32 s2;
	s2 =	sadd.s32 $0x10, s2;
	(pc) =	sbr.rel @p0 .LBB2_13-.Ltmp12, $4  }
0xc5: {  	s20 =	sand.u32 $0x400, s6;
	v10 =	vshll.u32 v10, $0x3  }
0xc6: {  	s9 =	sand.u32 $0x70, s7;
	v11 =	vor.u32 s7, v0;
	s20 =	sadd.s32 s20, s0;
	v10 =	vand.u32 $0x400, v10  }
0xc7: {  	v11 =	vand.u32 $0x7F, v11;
	s7 =	sadd.s32 s9, s20;
	v10 =	vor.u32 v10, v7;
	[tilespmem:v9+s19+$0x0] =	vst.idx.add.f32.msk $0xffff, v8  }
0xc8: {  	v9 =	vor.u32 v11, v10;
	v8 =	vld [tilespmem:s7+$0x0]  }
0xc9: {  	s31 =	sadd.s32 $0x1, s31  }
0xca: {  	p0 =	sne.s32 s31, s28  }
.Ltmp13:
0xcb: {  	_ = 	snop;
	(pc) =	sbr.rel @p0 .LBB2_12-.Ltmp13, $4  }
.Ltmp14:
0xcc: {  	_ = 	snop;
	(pc) =	sbr.rel @!p0 .LBB2_15-.Ltmp14, $4  }
0xcd: {  	_ = 	snop  }
0xce: {  	_ = 	snop  }
0xcf: {  	[tilespmem:v9+s19+$0x0] =	vst.idx.add.f32.msk $0xffff, v8  }
0xd0: {  	_ = 	snop  }
.LBB2_5:
.Ltmp15:
0xd1: {  	(pc) =	sbr.rel .LBB2_9-.Ltmp15, $2  }
0xd2: {  	_ =	sdelay $0x2  }
0xd3: {  	s23 =	simm.s32 $0x0  }
.LBB2_7:
.Ltmp16:
0xd4: {  	(pc) =	sbr.rel .LBB2_9-.Ltmp16, $2  }
0xd5: {  	_ =	sdelay $0x2  }
0xd6: {  	s23 =	simm.s32 $0x0  }
.LBB2_18:
0xd7: {  	_ =	sfence.sel $0x180000  }
0xd8: {  	[bflag:$0x0] =	sbarrier.arrive $0xFFFF  }
0xd9: {  	_ =	strace $0x9000004A  }
0xda: {  	s0 =	stileid.u32;
	[bflag:$0x2] =	sbarrier.arrive $0xFFFF  }
0xdb: {  	p0 =	sne.s32 s0, $0x0;
	s0 =	rddreg [dreg:$0x2]  }
0xdc: {  	s0 =	sadd.s32 @!p0 $0x100000, s0  }
0xdd: {  	[sflag:s0] =	ssyncadd.tile.s32 @!p0 $0x1;
	_ =	shalt  }
.Lfunc_end2:
_tile_overlayer_lowered:
.L_overlay_start_2:
0xde: {  	(tag) =	ssettag $0x2  }
0xdf: {  	s0 =	rddreg [dreg:$0x0];
	s2 =	stileid.u32  }
0xe0: {  	s1 =	rddreg [dreg:$0x1];
	p0 =	sne.s32 s2, $0x0  }
0xe1: {  	s3 =	rddreg [dreg:$0x2];
	[bflag:$0x3] =	sbarrier.arrive $0xFFFF;
	s2 =	simm.s32 @!p0 $0x1C02  }
0xe2: {  	[timem:s3], [sflag:s2] =	dma.local @!p0 [hbm:s0], s1  }
0xe3: {  	s0 =	simm.s32 @!p0 $0x2  }
0xe4: {  	_ =	swait.ge @!p0 [sflag:s0], s1  }
0xe5: {  	s1 =	ssub.s32 @!p0 $0x0, s1;
	[sflag:s0] =	ssyncset.done @!p0 $0x0  }
0xe6: {  	[sflag:s0] =	ssyncadd.s32 @!p0 s1  }
0xe7: {  	[bflag:$0x3] =	sbarrier.arrive $0xFFFF  }
0xe8: {  	_ =	shalt  }

</sc_bundles>
